<compile_context>
chip_gen: v7x
topology: tpu7x:2x2x1
jax: 0.10.2.dev20260603
libtpu: 0.0.44.dev20260713+nightly
codegen_flags: <defaults>
</compile_context>

<pallas_src>
import functools

import jax
import jax.numpy as jnp
from jax import lax
from jax.experimental import pallas as pl
from jax.experimental.pallas import tpu as pltpu
from jax.experimental.pallas import tpu_sc as plsc

EMBED = 512
HIDDEN = 1024

_NUM_WORKERS = 32
_N_CHUNKS = 2
_CH = 64
_NB = 2
_TB = 2048


def _sc_gather_chunk(table, ids2d, chunk, rows_per_chunk):
    batch, seq = ids2d.shape
    b_per_w = rows_per_chunk // _NUM_WORKERS
    n_ch = b_per_w // _CH
    rows_per_batch = seq // b_per_w
    mesh = plsc.VectorSubcoreMesh(core_axis_name="c", subcore_axis_name="s")

    @functools.partial(
        pl.kernel,
        out_type=jax.ShapeDtypeStruct((rows_per_chunk, EMBED), jnp.float32),
        mesh=mesh,
        scratch_types=[
            pltpu.VMEM((b_per_w,), jnp.int32),
            pltpu.VMEM((_NB, _CH, EMBED), jnp.float32),
            [pltpu.SemaphoreType.DMA] * _NB,
            [pltpu.SemaphoreType.DMA] * _NB,
        ],
    )
    def k(table_hbm, idx_hbm, out_hbm, idx_v, bufs, gsems, wsems):
        wid = lax.axis_index("s") * 2 + lax.axis_index("c")
        gwid = chunk * _NUM_WORKERS + wid
        brow = gwid // rows_per_batch
        bcol = (gwid % rows_per_batch) * b_per_w
        pltpu.sync_copy(idx_hbm.at[brow, pl.ds(bcol, b_per_w)], idx_v)

        def gather(c, s):
            return pltpu.async_copy(
                table_hbm.at[idx_v.at[pl.ds(c * _CH, _CH)]], bufs.at[s], gsems[s]
            )

        gs = [None] * n_ch
        ws = [None] * n_ch
        for s in range(min(_NB, n_ch)):
            gs[s] = gather(s, s)
        for c in range(n_ch):
            s = c % _NB
            gs[c].wait()
            ws[c] = pltpu.async_copy(
                bufs.at[s], out_hbm.at[pl.ds(wid * b_per_w + c * _CH, _CH)], wsems[s]
            )
            if c + _NB < n_ch:
                ws[c].wait()
                gs[c + _NB] = gather(c + _NB, s)
        for c in range(max(0, n_ch - _NB), n_ch):
            ws[c].wait()

    return k(table, ids2d)


def _tc_project_chunk(x, positions, w, b, buf, chunk, n_total):
    rows = x.shape[0]
    tiles = rows // _TB
    base_tile = chunk * tiles

    def body(buf_ref, x_ref, pos_ref, w_ref, b_ref, o_ref):
        del buf_ref
        xx = (x_ref[...] + pos_ref[1:2, :]).astype(jnp.bfloat16)
        w16 = w_ref[...].astype(jnp.bfloat16)
        o_ref[...] = (
            jnp.dot(xx, w16, preferred_element_type=jnp.float32) + b_ref[...]
        )

    if buf is None:
        buf = b
        aliases = {}
    else:
        aliases = {0: 0}

    return pl.pallas_call(
        body,
        grid=(tiles,),
        in_specs=[
            pl.BlockSpec(memory_space=pl.ANY),
            pl.BlockSpec((_TB, EMBED), lambda i: (i, 0)),
            pl.BlockSpec((8, EMBED), lambda i: (0, 0)),
            pl.BlockSpec((EMBED, HIDDEN), lambda i: (0, 0)),
            pl.BlockSpec((1, HIDDEN), lambda i: (0, 0)),
        ],
        out_specs=pl.BlockSpec((_TB, HIDDEN), lambda i: (base_tile + i, 0)),
        out_shape=jax.ShapeDtypeStruct((n_total, HIDDEN), jnp.float32),
        input_output_aliases=aliases,
    )(buf, x, positions, w, b)


def kernel(input_ids, embed_tokens_w, embed_positions_w, proj_w, proj_b):
    batch, seq = input_ids.shape
    b_total = batch * seq
    rows_per_chunk = b_total // _N_CHUNKS
    ids = input_ids.astype(jnp.int32)
    b2d = proj_b.reshape(1, HIDDEN)

    gathered = [
        _sc_gather_chunk(embed_tokens_w, ids, c, rows_per_chunk)
        for c in range(_N_CHUNKS)
    ]
    buf = None
    for c in range(_N_CHUNKS):
        buf = _tc_project_chunk(
            gathered[c], embed_positions_w, proj_w, b2d, buf, c, b_total
        )
    return buf.reshape(batch, seq, HIDDEN)

# --- scband reference (transcript-rebuilt; emitter-appended) ---
"""Pipeline reference for scband-optembed-wrapper-85933705658610 (READ-ONLY COPY).

The authoritative reference and input builder live on the scoring server;
editing this copy changes nothing except your own understanding.
"""

import jax, jax.numpy as jnp
import numpy as np

VOCAB = 50272
MAX_POS = 2050
EMBED_DIM = 512
HIDDEN = 1024
BATCH = 4
SEQ = 2048

def setup_inputs(seed: int = 0) -> dict:
    key = jax.random.key(seed)
    k1, k2, k3, k4 = jax.random.split(key, 4)
    input_ids = jax.random.randint(k1, (BATCH, SEQ), 0, VOCAB, dtype=jnp.int64 if jax.config.jax_enable_x64 else jnp.int32)
    embed_tokens_w = jax.random.normal(k2, (VOCAB, EMBED_DIM), dtype=jnp.float32) * 0.02
    embed_positions_w = jax.random.normal(k3, (MAX_POS, EMBED_DIM), dtype=jnp.float32) * 0.02
    proj_w = jax.random.normal(k4, (EMBED_DIM, HIDDEN), dtype=jnp.float32) * 0.02
    proj_b = jnp.zeros((HIDDEN,), dtype=jnp.float32)
    return {
        "input_ids": input_ids,
        "embed_tokens_w": embed_tokens_w,
        "embed_positions_w": embed_positions_w,
        "proj_w": proj_w,
        "proj_b": proj_b,
    }

def reference(input_ids, embed_tokens_w, embed_positions_w, proj_w, proj_b):
    # x = self.embed_tokens(input_ids)
    x = jnp.take(embed_tokens_w, input_ids, axis=0)
    # pos = self.embed_positions(torch.ones_like(input_ids, dtype=torch.long))
    pos_idx = jnp.ones_like(input_ids)
    pos = jnp.take(embed_positions_w, pos_idx, axis=0)
    x = x + pos
    # x = self.project_in(x)  (nn.Linear: x @ W^T + b; here proj_w stored as [in, out])
    x = jnp.dot(x, proj_w) + proj_b
    return x

if __name__ == "__main__":
    import jax
    _d = setup_inputs()
    print(jax.jit(kernel)(*tuple(_d.values())))

</pallas_src>

<mosaic_0001>
#map = affine_map<(d0, d1) -> (0, 0)>
module attributes {stable_mosaic.version = 14 : i64} {
  func.func @k(%arg0: i32, %arg1: i32, %arg2: memref<50272x512xf32, #tpu.memory_space<hbm>>, %arg3: memref<4x2048xi32, #tpu.memory_space<hbm>>, %arg4: memref<4096x512xf32, #tpu.memory_space<hbm>>, %arg5: memref<128xi32, #tpu.memory_space<vmem>>, %arg6: memref<2x64x512xf32, #tpu.memory_space<vmem>>, %arg7: memref<!tpu.dma_semaphore, #tpu.memory_space<semaphore_mem>>, %arg8: memref<!tpu.dma_semaphore, #tpu.memory_space<semaphore_mem>>, %arg9: memref<!tpu.dma_semaphore, #tpu.memory_space<semaphore_mem>>, %arg10: memref<!tpu.dma_semaphore, #tpu.memory_space<semaphore_mem>>) attributes {dimension_semantics = [#tpu.dimension_semantics<core_parallel>, #tpu.dimension_semantics<subcore_parallel>], iteration_bounds = array<i64: 2, 16>, scalar_prefetch = 0 : i64, scratch_operands = 6 : i64, tpu.core_type = #tpu.core_type<sc_vector_subcore>, window_params = [{transform_indices = #map}, {transform_indices = #map}, {transform_indices = #map}]} {
    %mul3A = arith.constant 2 : i32
    %mul3A_0 = arith.muli %arg1, %mul3A : i32
    %add3A = arith.addi %mul3A_0, %arg0 : i32
    %add3A_1 = arith.constant 32 : i32
    %add3A_2 = arith.addi %add3A_1, %add3A : i32
    %jit3A = arith.constant 16 : i32
    %div3A = arith.divsi %add3A_2, %jit3A : i32
    %sign3A = arith.constant 0 : i32
    %sign3A_3 = arith.cmpi sgt, %add3A_2, %sign3A : i32
    %sign3A_4 = arith.extui %sign3A_3 : i1 to i32
    %sign3A_5 = arith.constant 0 : i32
    %sign3A_6 = arith.cmpi slt, %add3A_2, %sign3A_5 : i32
    %sign3A_7 = arith.extui %sign3A_6 : i1 to i32
    %sign3A_8 = arith.subi %sign3A_4, %sign3A_7 : i32
    %sign3A_9 = arith.constant 0 : i32
    %sign3A_10 = arith.cmpi sgt, %jit3A, %sign3A_9 : i32
    %sign3A_11 = arith.extui %sign3A_10 : i1 to i32
    %sign3A_12 = arith.constant 0 : i32
    %sign3A_13 = arith.cmpi slt, %jit3A, %sign3A_12 : i32
    %sign3A_14 = arith.extui %sign3A_13 : i1 to i32
    %sign3A_15 = arith.subi %sign3A_11, %sign3A_14 : i32
    %ne3A = arith.cmpi ne, %sign3A_8, %sign3A_15 : i32
    %rem3A = arith.remsi %add3A_2, %jit3A : i32
    %ne3A_16 = arith.constant 0 : i32
    %ne3A_17 = arith.cmpi ne, %rem3A, %ne3A_16 : i32
    %and3A = arith.andi %ne3A, %ne3A_17 : i1
    %sub3A = arith.constant 1 : i32
    %sub3A_18 = arith.subi %div3A, %sub3A : i32
    %select_n3A = arith.select %and3A, %sub3A_18, %div3A : i32
    %jit3A_19 = arith.constant 16 : i32
    %eq3A = arith.constant 0 : i32
    %eq3A_20 = arith.cmpi eq, %jit3A_19, %eq3A : i32
    %jit3A_21 = arith.constant 1 : i32
    %select_n3A_22 = arith.select %eq3A_20, %jit3A_21, %jit3A_19 : i32
    %rem3A_23 = arith.remsi %add3A_2, %select_n3A_22 : i32
    %ne3A_24 = arith.constant 0 : i32
    %ne3A_25 = arith.cmpi ne, %rem3A_23, %ne3A_24 : i32
    %lt3A = arith.constant 0 : i32
    %lt3A_26 = arith.cmpi slt, %rem3A_23, %lt3A : i32
    %lt3A_27 = arith.constant 0 : i32
    %lt3A_28 = arith.cmpi slt, %select_n3A_22, %lt3A_27 : i32
    %ne3A_29 = arith.xori %lt3A_26, %lt3A_28 : i1
    %and3A_30 = arith.andi %ne3A_29, %ne3A_25 : i1
    %add3A_31 = arith.addi %rem3A_23, %select_n3A_22 : i32
    %select_n3A_32 = arith.select %and3A_30, %add3A_31, %rem3A_23 : i32
    %mul3A_33 = arith.constant 128 : i32
    %mul3A_34 = arith.muli %select_n3A_32, %mul3A_33 : i32
    "tpu.region"() ({
      %run_scoped3A = tpu.sem_alloc : memref<!tpu.dma_semaphore, #tpu.memory_space<semaphore_mem>>
      %dma_start3A_133 = tpu.memref_slice %arg3[%select_n3A, %mul3A_34] : memref<4x2048xi32, #tpu.memory_space<hbm>> -> memref<1x128xi32, #tpu.memory_space<hbm>>
      %dma_start3A_134 = tpu.memref_squeeze %dma_start3A_133 : memref<1x128xi32, #tpu.memory_space<hbm>> -> memref<128xi32, #tpu.memory_space<hbm>>
      %dma_start3A_135 = tpu.memref_slice %arg3[%select_n3A, %mul3A_34] : memref<4x2048xi32, #tpu.memory_space<hbm>> -> memref<1x128xi32, #tpu.memory_space<hbm>>
      %dma_start3A_136 = tpu.memref_squeeze %dma_start3A_135 : memref<1x128xi32, #tpu.memory_space<hbm>> -> memref<128xi32, #tpu.memory_space<hbm>>
      tpu.enqueue_dma source(%dma_start3A_136 : memref<128xi32, #tpu.memory_space<hbm>>) target(%arg5 : memref<128xi32, #tpu.memory_space<vmem>>) target_semaphore(%run_scoped3A : memref<!tpu.dma_semaphore, #tpu.memory_space<semaphore_mem>>)
      %dma_wait3A_137 = tpu.memref_slice %arg3[%select_n3A, %mul3A_34] : memref<4x2048xi32, #tpu.memory_space<hbm>> -> memref<1x128xi32, #tpu.memory_space<hbm>>
      %dma_wait3A_138 = tpu.memref_squeeze %dma_wait3A_137 : memref<1x128xi32, #tpu.memory_space<hbm>> -> memref<128xi32, #tpu.memory_space<hbm>>
      %dma_wait3A_139 = tpu.memref_slice %arg3[%select_n3A, %mul3A_34] : memref<4x2048xi32, #tpu.memory_space<hbm>> -> memref<1x128xi32, #tpu.memory_space<hbm>>
      %dma_wait3A_140 = tpu.memref_squeeze %dma_wait3A_139 : memref<1x128xi32, #tpu.memory_space<hbm>> -> memref<128xi32, #tpu.memory_space<hbm>>
      tpu.wait_dma2 semaphore(%run_scoped3A : memref<!tpu.dma_semaphore, #tpu.memory_space<semaphore_mem>>) src(%dma_wait3A_140 : memref<128xi32, #tpu.memory_space<hbm>>) dst(%arg5 : memref<128xi32, #tpu.memory_space<vmem>>)
      tpu.yield
    }) : () -> ()
    %dma_start3A = arith.constant 0 : i32
    %dma_start3A_35 = arith.constant 0 : i32
    %dma_start3A_36 = arith.constant 0 : i32
    %dma_start3A_37 = tpu.memref_slice %arg6[%dma_start3A, %dma_start3A_35, %dma_start3A_36] : memref<2x64x512xf32, #tpu.memory_space<vmem>> -> memref<1x64x512xf32, #tpu.memory_space<vmem>>
    %dma_start3A_38 = tpu.memref_squeeze %dma_start3A_37 : memref<1x64x512xf32, #tpu.memory_space<vmem>> -> memref<64x512xf32, #tpu.memory_space<vmem>>
    %dma_start3A_39 = arith.constant 0 : i32
    %dma_start3A_40 = tpu.memref_slice %arg5[%dma_start3A_39] : memref<128xi32, #tpu.memory_space<vmem>> -> memref<64xi32, #tpu.memory_space<vmem>>
    %dma_start3A_41 = arith.constant 0 : i32
    %dma_start3A_42 = arith.constant 0 : i32
    %dma_start3A_43 = tpu.memref_slice %arg2[%dma_start3A_41, %dma_start3A_42] : memref<50272x512xf32, #tpu.memory_space<hbm>> -> memref<50272x512xf32, #tpu.memory_space<hbm>>
    tpu.enqueue_indirect_dma source(%dma_start3A_43 : memref<50272x512xf32, #tpu.memory_space<hbm>>) target(%dma_start3A_38 : memref<64x512xf32, #tpu.memory_space<vmem>>) offsets(%dma_start3A_40 : memref<64xi32, #tpu.memory_space<vmem>>) semaphore(%arg7 : memref<!tpu.dma_semaphore, #tpu.memory_space<semaphore_mem>>)
    %dma_start3A_44 = arith.constant 1 : i32
    %dma_start3A_45 = arith.constant 0 : i32
    %dma_start3A_46 = arith.constant 0 : i32
    %dma_start3A_47 = tpu.memref_slice %arg6[%dma_start3A_44, %dma_start3A_45, %dma_start3A_46] : memref<2x64x512xf32, #tpu.memory_space<vmem>> -> memref<1x64x512xf32, #tpu.memory_space<vmem>>
    %dma_start3A_48 = tpu.memref_squeeze %dma_start3A_47 : memref<1x64x512xf32, #tpu.memory_space<vmem>> -> memref<64x512xf32, #tpu.memory_space<vmem>>
    %dma_start3A_49 = arith.constant 64 : i32
    %dma_start3A_50 = tpu.memref_slice %arg5[%dma_start3A_49] : memref<128xi32, #tpu.memory_space<vmem>> -> memref<64xi32, #tpu.memory_space<vmem>>
    %dma_start3A_51 = arith.constant 0 : i32
    %dma_start3A_52 = arith.constant 0 : i32
    %dma_start3A_53 = tpu.memref_slice %arg2[%dma_start3A_51, %dma_start3A_52] : memref<50272x512xf32, #tpu.memory_space<hbm>> -> memref<50272x512xf32, #tpu.memory_space<hbm>>
    tpu.enqueue_indirect_dma source(%dma_start3A_53 : memref<50272x512xf32, #tpu.memory_space<hbm>>) target(%dma_start3A_48 : memref<64x512xf32, #tpu.memory_space<vmem>>) offsets(%dma_start3A_50 : memref<64xi32, #tpu.memory_space<vmem>>) semaphore(%arg8 : memref<!tpu.dma_semaphore, #tpu.memory_space<semaphore_mem>>)
    %dma_wait3A = arith.constant 0 : i32
    %dma_wait3A_54 = arith.constant 0 : i32
    %dma_wait3A_55 = arith.constant 0 : i32
    %dma_wait3A_56 = tpu.memref_slice %arg6[%dma_wait3A, %dma_wait3A_54, %dma_wait3A_55] : memref<2x64x512xf32, #tpu.memory_space<vmem>> -> memref<1x64x512xf32, #tpu.memory_space<vmem>>
    %dma_wait3A_57 = tpu.memref_squeeze %dma_wait3A_56 : memref<1x64x512xf32, #tpu.memory_space<vmem>> -> memref<64x512xf32, #tpu.memory_space<vmem>>
    %dma_wait3A_58 = arith.constant 0 : i32
    %dma_wait3A_59 = tpu.memref_slice %arg5[%dma_wait3A_58] : memref<128xi32, #tpu.memory_space<vmem>> -> memref<64xi32, #tpu.memory_space<vmem>>
    %dma_wait3A_60 = arith.constant 0 : i32
    %dma_wait3A_61 = arith.constant 0 : i32
    %dma_wait3A_62 = tpu.memref_slice %arg2[%dma_wait3A_60, %dma_wait3A_61] : memref<50272x512xf32, #tpu.memory_space<hbm>> -> memref<50272x512xf32, #tpu.memory_space<hbm>>
    tpu.wait_indirect_dma semaphore(%arg7 : memref<!tpu.dma_semaphore, #tpu.memory_space<semaphore_mem>>) src(%dma_wait3A_62 : memref<50272x512xf32, #tpu.memory_space<hbm>>) dst(%dma_wait3A_57 : memref<64x512xf32, #tpu.memory_space<vmem>>)
    %mul3A_63 = arith.constant 128 : i32
    %mul3A_64 = arith.muli %add3A, %mul3A_63 : i32
    %add3A_65 = arith.constant 0 : i32
    %add3A_66 = arith.addi %mul3A_64, %add3A_65 : i32
    %dma_start3A_67 = arith.constant 0 : i32
    %dma_start3A_68 = arith.constant 0 : i32
    %dma_start3A_69 = arith.constant 0 : i32
    %dma_start3A_70 = tpu.memref_slice %arg6[%dma_start3A_67, %dma_start3A_68, %dma_start3A_69] : memref<2x64x512xf32, #tpu.memory_space<vmem>> -> memref<1x64x512xf32, #tpu.memory_space<vmem>>
    %dma_start3A_71 = tpu.memref_squeeze %dma_start3A_70 : memref<1x64x512xf32, #tpu.memory_space<vmem>> -> memref<64x512xf32, #tpu.memory_space<vmem>>
    %dma_start3A_72 = arith.constant 0 : i32
    %dma_start3A_73 = tpu.memref_slice %arg4[%add3A_66, %dma_start3A_72] : memref<4096x512xf32, #tpu.memory_space<hbm>> -> memref<64x512xf32, #tpu.memory_space<hbm>>
    %dma_start3A_74 = arith.constant 0 : i32
    %dma_start3A_75 = tpu.memref_slice %arg4[%add3A_66, %dma_start3A_74] : memref<4096x512xf32, #tpu.memory_space<hbm>> -> memref<64x512xf32, #tpu.memory_space<hbm>>
    %dma_start3A_76 = arith.constant 0 : i32
    %dma_start3A_77 = arith.constant 0 : i32
    %dma_start3A_78 = tpu.memref_slice %arg6[%dma_start3A_67, %dma_start3A_76, %dma_start3A_77] : memref<2x64x512xf32, #tpu.memory_space<vmem>> -> memref<1x64x512xf32, #tpu.memory_space<vmem>>
    %dma_start3A_79 = tpu.memref_squeeze %dma_start3A_78 : memref<1x64x512xf32, #tpu.memory_space<vmem>> -> memref<64x512xf32, #tpu.memory_space<vmem>>
    tpu.enqueue_dma source(%dma_start3A_79 : memref<64x512xf32, #tpu.memory_space<vmem>>) target(%dma_start3A_75 : memref<64x512xf32, #tpu.memory_space<hbm>>) target_semaphore(%arg9 : memref<!tpu.dma_semaphore, #tpu.memory_space<semaphore_mem>>)
    %dma_wait3A_80 = arith.constant 1 : i32
    %dma_wait3A_81 = arith.constant 0 : i32
    %dma_wait3A_82 = arith.constant 0 : i32
    %dma_wait3A_83 = tpu.memref_slice %arg6[%dma_wait3A_80, %dma_wait3A_81, %dma_wait3A_82] : memref<2x64x512xf32, #tpu.memory_space<vmem>> -> memref<1x64x512xf32, #tpu.memory_space<vmem>>
    %dma_wait3A_84 = tpu.memref_squeeze %dma_wait3A_83 : memref<1x64x512xf32, #tpu.memory_space<vmem>> -> memref<64x512xf32, #tpu.memory_space<vmem>>
    %dma_wait3A_85 = arith.constant 64 : i32
    %dma_wait3A_86 = tpu.memref_slice %arg5[%dma_wait3A_85] : memref<128xi32, #tpu.memory_space<vmem>> -> memref<64xi32, #tpu.memory_space<vmem>>
    %dma_wait3A_87 = arith.constant 0 : i32
    %dma_wait3A_88 = arith.constant 0 : i32
    %dma_wait3A_89 = tpu.memref_slice %arg2[%dma_wait3A_87, %dma_wait3A_88] : memref<50272x512xf32, #tpu.memory_space<hbm>> -> memref<50272x512xf32, #tpu.memory_space<hbm>>
    tpu.wait_indirect_dma semaphore(%arg8 : memref<!tpu.dma_semaphore, #tpu.memory_space<semaphore_mem>>) src(%dma_wait3A_89 : memref<50272x512xf32, #tpu.memory_space<hbm>>) dst(%dma_wait3A_84 : memref<64x512xf32, #tpu.memory_space<vmem>>)
    %mul3A_90 = arith.constant 128 : i32
    %mul3A_91 = arith.muli %add3A, %mul3A_90 : i32
    %add3A_92 = arith.constant 64 : i32
    %add3A_93 = arith.addi %mul3A_91, %add3A_92 : i32
    %dma_start3A_94 = arith.constant 1 : i32
    %dma_start3A_95 = arith.constant 0 : i32
    %dma_start3A_96 = arith.constant 0 : i32
    %dma_start3A_97 = tpu.memref_slice %arg6[%dma_start3A_94, %dma_start3A_95, %dma_start3A_96] : memref<2x64x512xf32, #tpu.memory_space<vmem>> -> memref<1x64x512xf32, #tpu.memory_space<vmem>>
    %dma_start3A_98 = tpu.memref_squeeze %dma_start3A_97 : memref<1x64x512xf32, #tpu.memory_space<vmem>> -> memref<64x512xf32, #tpu.memory_space<vmem>>
    %dma_start3A_99 = arith.constant 0 : i32
    %dma_start3A_100 = tpu.memref_slice %arg4[%add3A_93, %dma_start3A_99] : memref<4096x512xf32, #tpu.memory_space<hbm>> -> memref<64x512xf32, #tpu.memory_space<hbm>>
    %dma_start3A_101 = arith.constant 0 : i32
    %dma_start3A_102 = tpu.memref_slice %arg4[%add3A_93, %dma_start3A_101] : memref<4096x512xf32, #tpu.memory_space<hbm>> -> memref<64x512xf32, #tpu.memory_space<hbm>>
    %dma_start3A_103 = arith.constant 0 : i32
    %dma_start3A_104 = arith.constant 0 : i32
    %dma_start3A_105 = tpu.memref_slice %arg6[%dma_start3A_94, %dma_start3A_103, %dma_start3A_104] : memref<2x64x512xf32, #tpu.memory_space<vmem>> -> memref<1x64x512xf32, #tpu.memory_space<vmem>>
    %dma_start3A_106 = tpu.memref_squeeze %dma_start3A_105 : memref<1x64x512xf32, #tpu.memory_space<vmem>> -> memref<64x512xf32, #tpu.memory_space<vmem>>
    tpu.enqueue_dma source(%dma_start3A_106 : memref<64x512xf32, #tpu.memory_space<vmem>>) target(%dma_start3A_102 : memref<64x512xf32, #tpu.memory_space<hbm>>) target_semaphore(%arg10 : memref<!tpu.dma_semaphore, #tpu.memory_space<semaphore_mem>>)
    %dma_wait3A_107 = arith.constant 0 : i32
    %dma_wait3A_108 = arith.constant 0 : i32
    %dma_wait3A_109 = arith.constant 0 : i32
    %dma_wait3A_110 = tpu.memref_slice %arg6[%dma_wait3A_107, %dma_wait3A_108, %dma_wait3A_109] : memref<2x64x512xf32, #tpu.memory_space<vmem>> -> memref<1x64x512xf32, #tpu.memory_space<vmem>>
    %dma_wait3A_111 = tpu.memref_squeeze %dma_wait3A_110 : memref<1x64x512xf32, #tpu.memory_space<vmem>> -> memref<64x512xf32, #tpu.memory_space<vmem>>
    %dma_wait3A_112 = arith.constant 0 : i32
    %dma_wait3A_113 = tpu.memref_slice %arg4[%add3A_66, %dma_wait3A_112] : memref<4096x512xf32, #tpu.memory_space<hbm>> -> memref<64x512xf32, #tpu.memory_space<hbm>>
    %dma_wait3A_114 = arith.constant 0 : i32
    %dma_wait3A_115 = tpu.memref_slice %arg4[%add3A_66, %dma_wait3A_114] : memref<4096x512xf32, #tpu.memory_space<hbm>> -> memref<64x512xf32, #tpu.memory_space<hbm>>
    %dma_wait3A_116 = arith.constant 0 : i32
    %dma_wait3A_117 = arith.constant 0 : i32
    %dma_wait3A_118 = tpu.memref_slice %arg6[%dma_wait3A_107, %dma_wait3A_116, %dma_wait3A_117] : memref<2x64x512xf32, #tpu.memory_space<vmem>> -> memref<1x64x512xf32, #tpu.memory_space<vmem>>
    %dma_wait3A_119 = tpu.memref_squeeze %dma_wait3A_118 : memref<1x64x512xf32, #tpu.memory_space<vmem>> -> memref<64x512xf32, #tpu.memory_space<vmem>>
    tpu.wait_dma2 semaphore(%arg9 : memref<!tpu.dma_semaphore, #tpu.memory_space<semaphore_mem>>) src(%dma_wait3A_119 : memref<64x512xf32, #tpu.memory_space<vmem>>) dst(%dma_wait3A_115 : memref<64x512xf32, #tpu.memory_space<hbm>>)
    %dma_wait3A_120 = arith.constant 1 : i32
    %dma_wait3A_121 = arith.constant 0 : i32
    %dma_wait3A_122 = arith.constant 0 : i32
    %dma_wait3A_123 = tpu.memref_slice %arg6[%dma_wait3A_120, %dma_wait3A_121, %dma_wait3A_122] : memref<2x64x512xf32, #tpu.memory_space<vmem>> -> memref<1x64x512xf32, #tpu.memory_space<vmem>>
    %dma_wait3A_124 = tpu.memref_squeeze %dma_wait3A_123 : memref<1x64x512xf32, #tpu.memory_space<vmem>> -> memref<64x512xf32, #tpu.memory_space<vmem>>
    %dma_wait3A_125 = arith.constant 0 : i32
    %dma_wait3A_126 = tpu.memref_slice %arg4[%add3A_93, %dma_wait3A_125] : memref<4096x512xf32, #tpu.memory_space<hbm>> -> memref<64x512xf32, #tpu.memory_space<hbm>>
    %dma_wait3A_127 = arith.constant 0 : i32
    %dma_wait3A_128 = tpu.memref_slice %arg4[%add3A_93, %dma_wait3A_127] : memref<4096x512xf32, #tpu.memory_space<hbm>> -> memref<64x512xf32, #tpu.memory_space<hbm>>
    %dma_wait3A_129 = arith.constant 0 : i32
    %dma_wait3A_130 = arith.constant 0 : i32
    %dma_wait3A_131 = tpu.memref_slice %arg6[%dma_wait3A_120, %dma_wait3A_129, %dma_wait3A_130] : memref<2x64x512xf32, #tpu.memory_space<vmem>> -> memref<1x64x512xf32, #tpu.memory_space<vmem>>
    %dma_wait3A_132 = tpu.memref_squeeze %dma_wait3A_131 : memref<1x64x512xf32, #tpu.memory_space<vmem>> -> memref<64x512xf32, #tpu.memory_space<vmem>>
    tpu.wait_dma2 semaphore(%arg10 : memref<!tpu.dma_semaphore, #tpu.memory_space<semaphore_mem>>) src(%dma_wait3A_132 : memref<64x512xf32, #tpu.memory_space<vmem>>) dst(%dma_wait3A_128 : memref<64x512xf32, #tpu.memory_space<hbm>>)
    return
  }
}

#map = affine_map<(d0, d1) -> (0, 0)>
module attributes {stable_mosaic.version = 14 : i64} {
  func.func @k(%arg0: i32, %arg1: i32, %arg2: memref<50272x512xf32, #tpu.memory_space<hbm>>, %arg3: memref<4x2048xi32, #tpu.memory_space<hbm>>, %arg4: memref<4096x512xf32, #tpu.memory_space<hbm>>, %arg5: memref<128xi32, #tpu.memory_space<vmem>>, %arg6: memref<2x64x512xf32, #tpu.memory_space<vmem>>, %arg7: memref<!tpu.dma_semaphore, #tpu.memory_space<semaphore_mem>>, %arg8: memref<!tpu.dma_semaphore, #tpu.memory_space<semaphore_mem>>, %arg9: memref<!tpu.dma_semaphore, #tpu.memory_space<semaphore_mem>>, %arg10: memref<!tpu.dma_semaphore, #tpu.memory_space<semaphore_mem>>) attributes {dimension_semantics = [#tpu.dimension_semantics<core_parallel>, #tpu.dimension_semantics<subcore_parallel>], iteration_bounds = array<i64: 2, 16>, scalar_prefetch = 0 : i64, scratch_operands = 6 : i64, tpu.core_type = #tpu.core_type<sc_vector_subcore>, window_params = [{transform_indices = #map}, {transform_indices = #map}, {transform_indices = #map}]} {
    %mul3A = arith.constant 2 : i32
    %mul3A_0 = arith.muli %arg1, %mul3A : i32
    %add3A = arith.addi %mul3A_0, %arg0 : i32
    %add3A_1 = arith.constant 0 : i32
    %add3A_2 = arith.addi %add3A_1, %add3A : i32
    %jit3A = arith.constant 16 : i32
    %div3A = arith.divsi %add3A_2, %jit3A : i32
    %sign3A = arith.constant 0 : i32
    %sign3A_3 = arith.cmpi sgt, %add3A_2, %sign3A : i32
    %sign3A_4 = arith.extui %sign3A_3 : i1 to i32
    %sign3A_5 = arith.constant 0 : i32
    %sign3A_6 = arith.cmpi slt, %add3A_2, %sign3A_5 : i32
    %sign3A_7 = arith.extui %sign3A_6 : i1 to i32
    %sign3A_8 = arith.subi %sign3A_4, %sign3A_7 : i32
    %sign3A_9 = arith.constant 0 : i32
    %sign3A_10 = arith.cmpi sgt, %jit3A, %sign3A_9 : i32
    %sign3A_11 = arith.extui %sign3A_10 : i1 to i32
    %sign3A_12 = arith.constant 0 : i32
    %sign3A_13 = arith.cmpi slt, %jit3A, %sign3A_12 : i32
    %sign3A_14 = arith.extui %sign3A_13 : i1 to i32
    %sign3A_15 = arith.subi %sign3A_11, %sign3A_14 : i32
    %ne3A = arith.cmpi ne, %sign3A_8, %sign3A_15 : i32
    %rem3A = arith.remsi %add3A_2, %jit3A : i32
    %ne3A_16 = arith.constant 0 : i32
    %ne3A_17 = arith.cmpi ne, %rem3A, %ne3A_16 : i32
    %and3A = arith.andi %ne3A, %ne3A_17 : i1
    %sub3A = arith.constant 1 : i32
    %sub3A_18 = arith.subi %div3A, %sub3A : i32
    %select_n3A = arith.select %and3A, %sub3A_18, %div3A : i32
    %jit3A_19 = arith.constant 16 : i32
    %eq3A = arith.constant 0 : i32
    %eq3A_20 = arith.cmpi eq, %jit3A_19, %eq3A : i32
    %jit3A_21 = arith.constant 1 : i32
    %select_n3A_22 = arith.select %eq3A_20, %jit3A_21, %jit3A_19 : i32
    %rem3A_23 = arith.remsi %add3A_2, %select_n3A_22 : i32
    %ne3A_24 = arith.constant 0 : i32
    %ne3A_25 = arith.cmpi ne, %rem3A_23, %ne3A_24 : i32
    %lt3A = arith.constant 0 : i32
    %lt3A_26 = arith.cmpi slt, %rem3A_23, %lt3A : i32
    %lt3A_27 = arith.constant 0 : i32
    %lt3A_28 = arith.cmpi slt, %select_n3A_22, %lt3A_27 : i32
    %ne3A_29 = arith.xori %lt3A_26, %lt3A_28 : i1
    %and3A_30 = arith.andi %ne3A_29, %ne3A_25 : i1
    %add3A_31 = arith.addi %rem3A_23, %select_n3A_22 : i32
    %select_n3A_32 = arith.select %and3A_30, %add3A_31, %rem3A_23 : i32
    %mul3A_33 = arith.constant 128 : i32
    %mul3A_34 = arith.muli %select_n3A_32, %mul3A_33 : i32
    "tpu.region"() ({
      %run_scoped3A = tpu.sem_alloc : memref<!tpu.dma_semaphore, #tpu.memory_space<semaphore_mem>>
      %dma_start3A_133 = tpu.memref_slice %arg3[%select_n3A, %mul3A_34] : memref<4x2048xi32, #tpu.memory_space<hbm>> -> memref<1x128xi32, #tpu.memory_space<hbm>>
      %dma_start3A_134 = tpu.memref_squeeze %dma_start3A_133 : memref<1x128xi32, #tpu.memory_space<hbm>> -> memref<128xi32, #tpu.memory_space<hbm>>
      %dma_start3A_135 = tpu.memref_slice %arg3[%select_n3A, %mul3A_34] : memref<4x2048xi32, #tpu.memory_space<hbm>> -> memref<1x128xi32, #tpu.memory_space<hbm>>
      %dma_start3A_136 = tpu.memref_squeeze %dma_start3A_135 : memref<1x128xi32, #tpu.memory_space<hbm>> -> memref<128xi32, #tpu.memory_space<hbm>>
      tpu.enqueue_dma source(%dma_start3A_136 : memref<128xi32, #tpu.memory_space<hbm>>) target(%arg5 : memref<128xi32, #tpu.memory_space<vmem>>) target_semaphore(%run_scoped3A : memref<!tpu.dma_semaphore, #tpu.memory_space<semaphore_mem>>)
      %dma_wait3A_137 = tpu.memref_slice %arg3[%select_n3A, %mul3A_34] : memref<4x2048xi32, #tpu.memory_space<hbm>> -> memref<1x128xi32, #tpu.memory_space<hbm>>
      %dma_wait3A_138 = tpu.memref_squeeze %dma_wait3A_137 : memref<1x128xi32, #tpu.memory_space<hbm>> -> memref<128xi32, #tpu.memory_space<hbm>>
      %dma_wait3A_139 = tpu.memref_slice %arg3[%select_n3A, %mul3A_34] : memref<4x2048xi32, #tpu.memory_space<hbm>> -> memref<1x128xi32, #tpu.memory_space<hbm>>
      %dma_wait3A_140 = tpu.memref_squeeze %dma_wait3A_139 : memref<1x128xi32, #tpu.memory_space<hbm>> -> memref<128xi32, #tpu.memory_space<hbm>>
      tpu.wait_dma2 semaphore(%run_scoped3A : memref<!tpu.dma_semaphore, #tpu.memory_space<semaphore_mem>>) src(%dma_wait3A_140 : memref<128xi32, #tpu.memory_space<hbm>>) dst(%arg5 : memref<128xi32, #tpu.memory_space<vmem>>)
      tpu.yield
    }) : () -> ()
    %dma_start3A = arith.constant 0 : i32
    %dma_start3A_35 = arith.constant 0 : i32
    %dma_start3A_36 = arith.constant 0 : i32
    %dma_start3A_37 = tpu.memref_slice %arg6[%dma_start3A, %dma_start3A_35, %dma_start3A_36] : memref<2x64x512xf32, #tpu.memory_space<vmem>> -> memref<1x64x512xf32, #tpu.memory_space<vmem>>
    %dma_start3A_38 = tpu.memref_squeeze %dma_start3A_37 : memref<1x64x512xf32, #tpu.memory_space<vmem>> -> memref<64x512xf32, #tpu.memory_space<vmem>>
    %dma_start3A_39 = arith.constant 0 : i32
    %dma_start3A_40 = tpu.memref_slice %arg5[%dma_start3A_39] : memref<128xi32, #tpu.memory_space<vmem>> -> memref<64xi32, #tpu.memory_space<vmem>>
    %dma_start3A_41 = arith.constant 0 : i32
    %dma_start3A_42 = arith.constant 0 : i32
    %dma_start3A_43 = tpu.memref_slice %arg2[%dma_start3A_41, %dma_start3A_42] : memref<50272x512xf32, #tpu.memory_space<hbm>> -> memref<50272x512xf32, #tpu.memory_space<hbm>>
    tpu.enqueue_indirect_dma source(%dma_start3A_43 : memref<50272x512xf32, #tpu.memory_space<hbm>>) target(%dma_start3A_38 : memref<64x512xf32, #tpu.memory_space<vmem>>) offsets(%dma_start3A_40 : memref<64xi32, #tpu.memory_space<vmem>>) semaphore(%arg7 : memref<!tpu.dma_semaphore, #tpu.memory_space<semaphore_mem>>)
    %dma_start3A_44 = arith.constant 1 : i32
    %dma_start3A_45 = arith.constant 0 : i32
    %dma_start3A_46 = arith.constant 0 : i32
    %dma_start3A_47 = tpu.memref_slice %arg6[%dma_start3A_44, %dma_start3A_45, %dma_start3A_46] : memref<2x64x512xf32, #tpu.memory_space<vmem>> -> memref<1x64x512xf32, #tpu.memory_space<vmem>>
    %dma_start3A_48 = tpu.memref_squeeze %dma_start3A_47 : memref<1x64x512xf32, #tpu.memory_space<vmem>> -> memref<64x512xf32, #tpu.memory_space<vmem>>
    %dma_start3A_49 = arith.constant 64 : i32
    %dma_start3A_50 = tpu.memref_slice %arg5[%dma_start3A_49] : memref<128xi32, #tpu.memory_space<vmem>> -> memref<64xi32, #tpu.memory_space<vmem>>
    %dma_start3A_51 = arith.constant 0 : i32
    %dma_start3A_52 = arith.constant 0 : i32
    %dma_start3A_53 = tpu.memref_slice %arg2[%dma_start3A_51, %dma_start3A_52] : memref<50272x512xf32, #tpu.memory_space<hbm>> -> memref<50272x512xf32, #tpu.memory_space<hbm>>
    tpu.enqueue_indirect_dma source(%dma_start3A_53 : memref<50272x512xf32, #tpu.memory_space<hbm>>) target(%dma_start3A_48 : memref<64x512xf32, #tpu.memory_space<vmem>>) offsets(%dma_start3A_50 : memref<64xi32, #tpu.memory_space<vmem>>) semaphore(%arg8 : memref<!tpu.dma_semaphore, #tpu.memory_space<semaphore_mem>>)
    %dma_wait3A = arith.constant 0 : i32
    %dma_wait3A_54 = arith.constant 0 : i32
    %dma_wait3A_55 = arith.constant 0 : i32
    %dma_wait3A_56 = tpu.memref_slice %arg6[%dma_wait3A, %dma_wait3A_54, %dma_wait3A_55] : memref<2x64x512xf32, #tpu.memory_space<vmem>> -> memref<1x64x512xf32, #tpu.memory_space<vmem>>
    %dma_wait3A_57 = tpu.memref_squeeze %dma_wait3A_56 : memref<1x64x512xf32, #tpu.memory_space<vmem>> -> memref<64x512xf32, #tpu.memory_space<vmem>>
    %dma_wait3A_58 = arith.constant 0 : i32
    %dma_wait3A_59 = tpu.memref_slice %arg5[%dma_wait3A_58] : memref<128xi32, #tpu.memory_space<vmem>> -> memref<64xi32, #tpu.memory_space<vmem>>
    %dma_wait3A_60 = arith.constant 0 : i32
    %dma_wait3A_61 = arith.constant 0 : i32
    %dma_wait3A_62 = tpu.memref_slice %arg2[%dma_wait3A_60, %dma_wait3A_61] : memref<50272x512xf32, #tpu.memory_space<hbm>> -> memref<50272x512xf32, #tpu.memory_space<hbm>>
    tpu.wait_indirect_dma semaphore(%arg7 : memref<!tpu.dma_semaphore, #tpu.memory_space<semaphore_mem>>) src(%dma_wait3A_62 : memref<50272x512xf32, #tpu.memory_space<hbm>>) dst(%dma_wait3A_57 : memref<64x512xf32, #tpu.memory_space<vmem>>)
    %mul3A_63 = arith.constant 128 : i32
    %mul3A_64 = arith.muli %add3A, %mul3A_63 : i32
    %add3A_65 = arith.constant 0 : i32
    %add3A_66 = arith.addi %mul3A_64, %add3A_65 : i32
    %dma_start3A_67 = arith.constant 0 : i32
    %dma_start3A_68 = arith.constant 0 : i32
    %dma_start3A_69 = arith.constant 0 : i32
    %dma_start3A_70 = tpu.memref_slice %arg6[%dma_start3A_67, %dma_start3A_68, %dma_start3A_69] : memref<2x64x512xf32, #tpu.memory_space<vmem>> -> memref<1x64x512xf32, #tpu.memory_space<vmem>>
    %dma_start3A_71 = tpu.memref_squeeze %dma_start3A_70 : memref<1x64x512xf32, #tpu.memory_space<vmem>> -> memref<64x512xf32, #tpu.memory_space<vmem>>
    %dma_start3A_72 = arith.constant 0 : i32
    %dma_start3A_73 = tpu.memref_slice %arg4[%add3A_66, %dma_start3A_72] : memref<4096x512xf32, #tpu.memory_space<hbm>> -> memref<64x512xf32, #tpu.memory_space<hbm>>
    %dma_start3A_74 = arith.constant 0 : i32
    %dma_start3A_75 = tpu.memref_slice %arg4[%add3A_66, %dma_start3A_74] : memref<4096x512xf32, #tpu.memory_space<hbm>> -> memref<64x512xf32, #tpu.memory_space<hbm>>
    %dma_start3A_76 = arith.constant 0 : i32
    %dma_start3A_77 = arith.constant 0 : i32
    %dma_start3A_78 = tpu.memref_slice %arg6[%dma_start3A_67, %dma_start3A_76, %dma_start3A_77] : memref<2x64x512xf32, #tpu.memory_space<vmem>> -> memref<1x64x512xf32, #tpu.memory_space<vmem>>
    %dma_start3A_79 = tpu.memref_squeeze %dma_start3A_78 : memref<1x64x512xf32, #tpu.memory_space<vmem>> -> memref<64x512xf32, #tpu.memory_space<vmem>>
    tpu.enqueue_dma source(%dma_start3A_79 : memref<64x512xf32, #tpu.memory_space<vmem>>) target(%dma_start3A_75 : memref<64x512xf32, #tpu.memory_space<hbm>>) target_semaphore(%arg9 : memref<!tpu.dma_semaphore, #tpu.memory_space<semaphore_mem>>)
    %dma_wait3A_80 = arith.constant 1 : i32
    %dma_wait3A_81 = arith.constant 0 : i32
    %dma_wait3A_82 = arith.constant 0 : i32
    %dma_wait3A_83 = tpu.memref_slice %arg6[%dma_wait3A_80, %dma_wait3A_81, %dma_wait3A_82] : memref<2x64x512xf32, #tpu.memory_space<vmem>> -> memref<1x64x512xf32, #tpu.memory_space<vmem>>
    %dma_wait3A_84 = tpu.memref_squeeze %dma_wait3A_83 : memref<1x64x512xf32, #tpu.memory_space<vmem>> -> memref<64x512xf32, #tpu.memory_space<vmem>>
    %dma_wait3A_85 = arith.constant 64 : i32
    %dma_wait3A_86 = tpu.memref_slice %arg5[%dma_wait3A_85] : memref<128xi32, #tpu.memory_space<vmem>> -> memref<64xi32, #tpu.memory_space<vmem>>
    %dma_wait3A_87 = arith.constant 0 : i32
    %dma_wait3A_88 = arith.constant 0 : i32
    %dma_wait3A_89 = tpu.memref_slice %arg2[%dma_wait3A_87, %dma_wait3A_88] : memref<50272x512xf32, #tpu.memory_space<hbm>> -> memref<50272x512xf32, #tpu.memory_space<hbm>>
    tpu.wait_indirect_dma semaphore(%arg8 : memref<!tpu.dma_semaphore, #tpu.memory_space<semaphore_mem>>) src(%dma_wait3A_89 : memref<50272x512xf32, #tpu.memory_space<hbm>>) dst(%dma_wait3A_84 : memref<64x512xf32, #tpu.memory_space<vmem>>)
    %mul3A_90 = arith.constant 128 : i32
    %mul3A_91 = arith.muli %add3A, %mul3A_90 : i32
    %add3A_92 = arith.constant 64 : i32
    %add3A_93 = arith.addi %mul3A_91, %add3A_92 : i32
    %dma_start3A_94 = arith.constant 1 : i32
    %dma_start3A_95 = arith.constant 0 : i32
    %dma_start3A_96 = arith.constant 0 : i32
    %dma_start3A_97 = tpu.memref_slice %arg6[%dma_start3A_94, %dma_start3A_95, %dma_start3A_96] : memref<2x64x512xf32, #tpu.memory_space<vmem>> -> memref<1x64x512xf32, #tpu.memory_space<vmem>>
    %dma_start3A_98 = tpu.memref_squeeze %dma_start3A_97 : memref<1x64x512xf32, #tpu.memory_space<vmem>> -> memref<64x512xf32, #tpu.memory_space<vmem>>
    %dma_start3A_99 = arith.constant 0 : i32
    %dma_start3A_100 = tpu.memref_slice %arg4[%add3A_93, %dma_start3A_99] : memref<4096x512xf32, #tpu.memory_space<hbm>> -> memref<64x512xf32, #tpu.memory_space<hbm>>
    %dma_start3A_101 = arith.constant 0 : i32
    %dma_start3A_102 = tpu.memref_slice %arg4[%add3A_93, %dma_start3A_101] : memref<4096x512xf32, #tpu.memory_space<hbm>> -> memref<64x512xf32, #tpu.memory_space<hbm>>
    %dma_start3A_103 = arith.constant 0 : i32
    %dma_start3A_104 = arith.constant 0 : i32
    %dma_start3A_105 = tpu.memref_slice %arg6[%dma_start3A_94, %dma_start3A_103, %dma_start3A_104] : memref<2x64x512xf32, #tpu.memory_space<vmem>> -> memref<1x64x512xf32, #tpu.memory_space<vmem>>
    %dma_start3A_106 = tpu.memref_squeeze %dma_start3A_105 : memref<1x64x512xf32, #tpu.memory_space<vmem>> -> memref<64x512xf32, #tpu.memory_space<vmem>>
    tpu.enqueue_dma source(%dma_start3A_106 : memref<64x512xf32, #tpu.memory_space<vmem>>) target(%dma_start3A_102 : memref<64x512xf32, #tpu.memory_space<hbm>>) target_semaphore(%arg10 : memref<!tpu.dma_semaphore, #tpu.memory_space<semaphore_mem>>)
    %dma_wait3A_107 = arith.constant 0 : i32
    %dma_wait3A_108 = arith.constant 0 : i32
    %dma_wait3A_109 = arith.constant 0 : i32
    %dma_wait3A_110 = tpu.memref_slice %arg6[%dma_wait3A_107, %dma_wait3A_108, %dma_wait3A_109] : memref<2x64x512xf32, #tpu.memory_space<vmem>> -> memref<1x64x512xf32, #tpu.memory_space<vmem>>
    %dma_wait3A_111 = tpu.memref_squeeze %dma_wait3A_110 : memref<1x64x512xf32, #tpu.memory_space<vmem>> -> memref<64x512xf32, #tpu.memory_space<vmem>>
    %dma_wait3A_112 = arith.constant 0 : i32
    %dma_wait3A_113 = tpu.memref_slice %arg4[%add3A_66, %dma_wait3A_112] : memref<4096x512xf32, #tpu.memory_space<hbm>> -> memref<64x512xf32, #tpu.memory_space<hbm>>
    %dma_wait3A_114 = arith.constant 0 : i32
    %dma_wait3A_115 = tpu.memref_slice %arg4[%add3A_66, %dma_wait3A_114] : memref<4096x512xf32, #tpu.memory_space<hbm>> -> memref<64x512xf32, #tpu.memory_space<hbm>>
    %dma_wait3A_116 = arith.constant 0 : i32
    %dma_wait3A_117 = arith.constant 0 : i32
    %dma_wait3A_118 = tpu.memref_slice %arg6[%dma_wait3A_107, %dma_wait3A_116, %dma_wait3A_117] : memref<2x64x512xf32, #tpu.memory_space<vmem>> -> memref<1x64x512xf32, #tpu.memory_space<vmem>>
    %dma_wait3A_119 = tpu.memref_squeeze %dma_wait3A_118 : memref<1x64x512xf32, #tpu.memory_space<vmem>> -> memref<64x512xf32, #tpu.memory_space<vmem>>
    tpu.wait_dma2 semaphore(%arg9 : memref<!tpu.dma_semaphore, #tpu.memory_space<semaphore_mem>>) src(%dma_wait3A_119 : memref<64x512xf32, #tpu.memory_space<vmem>>) dst(%dma_wait3A_115 : memref<64x512xf32, #tpu.memory_space<hbm>>)
    %dma_wait3A_120 = arith.constant 1 : i32
    %dma_wait3A_121 = arith.constant 0 : i32
    %dma_wait3A_122 = arith.constant 0 : i32
    %dma_wait3A_123 = tpu.memref_slice %arg6[%dma_wait3A_120, %dma_wait3A_121, %dma_wait3A_122] : memref<2x64x512xf32, #tpu.memory_space<vmem>> -> memref<1x64x512xf32, #tpu.memory_space<vmem>>
    %dma_wait3A_124 = tpu.memref_squeeze %dma_wait3A_123 : memref<1x64x512xf32, #tpu.memory_space<vmem>> -> memref<64x512xf32, #tpu.memory_space<vmem>>
    %dma_wait3A_125 = arith.constant 0 : i32
    %dma_wait3A_126 = tpu.memref_slice %arg4[%add3A_93, %dma_wait3A_125] : memref<4096x512xf32, #tpu.memory_space<hbm>> -> memref<64x512xf32, #tpu.memory_space<hbm>>
    %dma_wait3A_127 = arith.constant 0 : i32
    %dma_wait3A_128 = tpu.memref_slice %arg4[%add3A_93, %dma_wait3A_127] : memref<4096x512xf32, #tpu.memory_space<hbm>> -> memref<64x512xf32, #tpu.memory_space<hbm>>
    %dma_wait3A_129 = arith.constant 0 : i32
    %dma_wait3A_130 = arith.constant 0 : i32
    %dma_wait3A_131 = tpu.memref_slice %arg6[%dma_wait3A_120, %dma_wait3A_129, %dma_wait3A_130] : memref<2x64x512xf32, #tpu.memory_space<vmem>> -> memref<1x64x512xf32, #tpu.memory_space<vmem>>
    %dma_wait3A_132 = tpu.memref_squeeze %dma_wait3A_131 : memref<1x64x512xf32, #tpu.memory_space<vmem>> -> memref<64x512xf32, #tpu.memory_space<vmem>>
    tpu.wait_dma2 semaphore(%arg10 : memref<!tpu.dma_semaphore, #tpu.memory_space<semaphore_mem>>) src(%dma_wait3A_132 : memref<64x512xf32, #tpu.memory_space<vmem>>) dst(%dma_wait3A_128 : memref<64x512xf32, #tpu.memory_space<hbm>>)
    return
  }
}

module attributes {stable_mosaic.version = 14 : i64} {
  func.func @body(%arg0: i32, %arg1: memref<1x1024xf32, #tpu.memory_space<any>>, %arg2: memref<2048x512xf32, #tpu.memory_space<vmem>>, %arg3: memref<8x512xf32, #tpu.memory_space<vmem>>, %arg4: memref<512x1024xf32, #tpu.memory_space<vmem>>, %arg5: memref<1x1024xf32, #tpu.memory_space<vmem>>, %arg6: memref<2048x1024xf32, #tpu.memory_space<vmem>>) attributes {dimension_semantics = [#tpu.dimension_semantics<arbitrary>], iteration_bounds = array<i64: 2>, scalar_prefetch = 0 : i64, scratch_operands = 0 : i64, tpu.core_type = #tpu.core_type<tc>, window_params = [{}, {transform_indices = @transform_1, window_bounds = array<i64: 2048, 512>}, {transform_indices = @transform_2, window_bounds = array<i64: 8, 512>}, {pipeline_mode = #tpu.pipeline_mode<synchronous>, transform_indices = @transform_3, window_bounds = array<i64: 512, 1024>}, {pipeline_mode = #tpu.pipeline_mode<synchronous>, transform_indices = @transform_4, window_bounds = array<i64: 1, 1024>}, {transform_indices = @transform_5, window_bounds = array<i64: 2048, 1024>}]} {
    %get3A = arith.constant 0 : index
    %get3A_0 = arith.constant 0 : index
    %get3A_1 = vector.load %arg2[%get3A, %get3A_0] : memref<2048x512xf32, #tpu.memory_space<vmem>>, vector<2048x512xf32>
    %get3A_2 = arith.constant 1 : index
    %get3A_3 = arith.constant 0 : index
    %get3A_4 = vector.load %arg3[%get3A_2, %get3A_3] : memref<8x512xf32, #tpu.memory_space<vmem>>, vector<1x512xf32>
    %add3A = vector.broadcast %get3A_4 : vector<1x512xf32> to vector<2048x512xf32>
    %add3A_5 = arith.addf %get3A_1, %add3A : vector<2048x512xf32>
    %convert_element_type3A = arith.truncf %add3A_5 : vector<2048x512xf32> to vector<2048x512xbf16>
    %get3A_6 = arith.constant 0 : index
    %get3A_7 = arith.constant 0 : index
    %get3A_8 = vector.load %arg4[%get3A_6, %get3A_7] : memref<512x1024xf32, #tpu.memory_space<vmem>>, vector<512x1024xf32>
    %convert_element_type3A_9 = arith.truncf %get3A_8 : vector<512x1024xf32> to vector<512x1024xbf16>
    %dot_general3A = arith.constant dense<0.000000e+00> : vector<2048x1024xf32>
    %dot_general3A_10 = tpu.matmul %convert_element_type3A, %convert_element_type3A_9, %dot_general3A {dimension_numbers = #tpu.dot_dimension_numbers<[1], [0], [0], [1], [0, 0, 1, 1], [], []>, transpose_lhs_hint = false} : vector<2048x512xbf16>, vector<512x1024xbf16>, vector<2048x1024xf32> -> vector<2048x1024xf32>
    %get3A_11 = arith.constant 0 : index
    %get3A_12 = arith.constant 0 : index
    %get3A_13 = vector.load %arg5[%get3A_11, %get3A_12] : memref<1x1024xf32, #tpu.memory_space<vmem>>, vector<1x1024xf32>
    %add3A_14 = vector.broadcast %get3A_13 : vector<1x1024xf32> to vector<2048x1024xf32>
    %add3A_15 = arith.addf %dot_general3A_10, %add3A_14 : vector<2048x1024xf32>
    %swap3A = arith.constant 0 : index
    %swap3A_16 = arith.constant 0 : index
    %swap3A_17 = vector.load %arg6[%swap3A, %swap3A_16] : memref<2048x1024xf32, #tpu.memory_space<vmem>>, vector<2048x1024xf32>
    tpu.vector_store %arg6[%swap3A, %swap3A_16], %add3A_15 {strides = array<i32>} : memref<2048x1024xf32, #tpu.memory_space<vmem>>, vector<2048x1024xf32>,
    return
  }
  func.func @transform_1(%arg0: i32) -> (i32, i32) {
    %c0_i32 = arith.constant 0 : i32
    %c0_i32_0 = arith.constant 0 : i32
    return %arg0, %c0_i32 : i32, i32
  }
  func.func @transform_2(%arg0: i32) -> (i32, i32) {
    %c0_i32 = arith.constant 0 : i32
    %c0_i32_0 = arith.constant 0 : i32
    %c0_i32_1 = arith.constant 0 : i32
    return %c0_i32, %c0_i32_0 : i32, i32
  }
  func.func @transform_3(%arg0: i32) -> (i32, i32) {
    %c0_i32 = arith.constant 0 : i32
    %c0_i32_0 = arith.constant 0 : i32
    %c0_i32_1 = arith.constant 0 : i32
    return %c0_i32, %c0_i32_0 : i32, i32
  }
  func.func @transform_4(%arg0: i32) -> (i32, i32) {
    %c0_i32 = arith.constant 0 : i32
    %c0_i32_0 = arith.constant 0 : i32
    %c0_i32_1 = arith.constant 0 : i32
    return %c0_i32, %c0_i32_0 : i32, i32
  }
  func.func @transform_5(%arg0: i32) -> (i32, i32) {
    %add3A = arith.constant 0 : i32
    %add3A_0 = arith.addi %add3A, %arg0 : i32
    %c0_i32 = arith.constant 0 : i32
    %c0_i32_1 = arith.constant 0 : i32
    return %add3A_0, %c0_i32 : i32, i32
  }
}

module attributes {stable_mosaic.version = 14 : i64} {
  func.func @body(%arg0: i32, %arg1: memref<8192x1024xf32, #tpu.memory_space<any>>, %arg2: memref<2048x512xf32, #tpu.memory_space<vmem>>, %arg3: memref<8x512xf32, #tpu.memory_space<vmem>>, %arg4: memref<512x1024xf32, #tpu.memory_space<vmem>>, %arg5: memref<1x1024xf32, #tpu.memory_space<vmem>>, %arg6: memref<2048x1024xf32, #tpu.memory_space<vmem>>) attributes {dimension_semantics = [#tpu.dimension_semantics<arbitrary>], iteration_bounds = array<i64: 2>, scalar_prefetch = 0 : i64, scratch_operands = 0 : i64, tpu.core_type = #tpu.core_type<tc>, window_params = [{}, {transform_indices = @transform_1, window_bounds = array<i64: 2048, 512>}, {transform_indices = @transform_2, window_bounds = array<i64: 8, 512>}, {pipeline_mode = #tpu.pipeline_mode<synchronous>, transform_indices = @transform_3, window_bounds = array<i64: 512, 1024>}, {pipeline_mode = #tpu.pipeline_mode<synchronous>, transform_indices = @transform_4, window_bounds = array<i64: 1, 1024>}, {transform_indices = @transform_5, window_bounds = array<i64: 2048, 1024>}]} {
    %get3A = arith.constant 0 : index
    %get3A_0 = arith.constant 0 : index
    %get3A_1 = vector.load %arg2[%get3A, %get3A_0] : memref<2048x512xf32, #tpu.memory_space<vmem>>, vector<2048x512xf32>
    %get3A_2 = arith.constant 1 : index
    %get3A_3 = arith.constant 0 : index
    %get3A_4 = vector.load %arg3[%get3A_2, %get3A_3] : memref<8x512xf32, #tpu.memory_space<vmem>>, vector<1x512xf32>
    %add3A = vector.broadcast %get3A_4 : vector<1x512xf32> to vector<2048x512xf32>
    %add3A_5 = arith.addf %get3A_1, %add3A : vector<2048x512xf32>
    %convert_element_type3A = arith.truncf %add3A_5 : vector<2048x512xf32> to vector<2048x512xbf16>
    %get3A_6 = arith.constant 0 : index
    %get3A_7 = arith.constant 0 : index
    %get3A_8 = vector.load %arg4[%get3A_6, %get3A_7] : memref<512x1024xf32, #tpu.memory_space<vmem>>, vector<512x1024xf32>
    %convert_element_type3A_9 = arith.truncf %get3A_8 : vector<512x1024xf32> to vector<512x1024xbf16>
    %dot_general3A = arith.constant dense<0.000000e+00> : vector<2048x1024xf32>
    %dot_general3A_10 = tpu.matmul %convert_element_type3A, %convert_element_type3A_9, %dot_general3A {dimension_numbers = #tpu.dot_dimension_numbers<[1], [0], [0], [1], [0, 0, 1, 1], [], []>, transpose_lhs_hint = false} : vector<2048x512xbf16>, vector<512x1024xbf16>, vector<2048x1024xf32> -> vector<2048x1024xf32>
    %get3A_11 = arith.constant 0 : index
    %get3A_12 = arith.constant 0 : index
    %get3A_13 = vector.load %arg5[%get3A_11, %get3A_12] : memref<1x1024xf32, #tpu.memory_space<vmem>>, vector<1x1024xf32>
    %add3A_14 = vector.broadcast %get3A_13 : vector<1x1024xf32> to vector<2048x1024xf32>
    %add3A_15 = arith.addf %dot_general3A_10, %add3A_14 : vector<2048x1024xf32>
    %swap3A = arith.constant 0 : index
    %swap3A_16 = arith.constant 0 : index
    %swap3A_17 = vector.load %arg6[%swap3A, %swap3A_16] : memref<2048x1024xf32, #tpu.memory_space<vmem>>, vector<2048x1024xf32>
    tpu.vector_store %arg6[%swap3A, %swap3A_16], %add3A_15 {strides = array<i32>} : memref<2048x1024xf32, #tpu.memory_space<vmem>>, vector<2048x1024xf32>,
    return
  }
  func.func @transform_1(%arg0: i32) -> (i32, i32) {
    %c0_i32 = arith.constant 0 : i32
    %c0_i32_0 = arith.constant 0 : i32
    return %arg0, %c0_i32 : i32, i32
  }
  func.func @transform_2(%arg0: i32) -> (i32, i32) {
    %c0_i32 = arith.constant 0 : i32
    %c0_i32_0 = arith.constant 0 : i32
    %c0_i32_1 = arith.constant 0 : i32
    return %c0_i32, %c0_i32_0 : i32, i32
  }
  func.func @transform_3(%arg0: i32) -> (i32, i32) {
    %c0_i32 = arith.constant 0 : i32
    %c0_i32_0 = arith.constant 0 : i32
    %c0_i32_1 = arith.constant 0 : i32
    return %c0_i32, %c0_i32_0 : i32, i32
  }
  func.func @transform_4(%arg0: i32) -> (i32, i32) {
    %c0_i32 = arith.constant 0 : i32
    %c0_i32_0 = arith.constant 0 : i32
    %c0_i32_1 = arith.constant 0 : i32
    return %c0_i32, %c0_i32_0 : i32, i32
  }
  func.func @transform_5(%arg0: i32) -> (i32, i32) {
    %add3A = arith.constant 2 : i32
    %add3A_0 = arith.addi %add3A, %arg0 : i32
    %c0_i32 = arith.constant 0 : i32
    %c0_i32_1 = arith.constant 0 : i32
    return %add3A_0, %c0_i32 : i32, i32
  }
}

</mosaic_0001>

<sc_bundles>
// kernel: kernel.6.cloned.1.call-start
scs
__scs_entry_jumppad:
0x0: {  	(pc) =	sbr.rel $0x88, $3  }
0x1: {  	(tag) =	ssettag $0x0;
	lr =	simm.s32 $0x1  }
0x2: {  	[smem:$0x3F9C] =	sst lr;
	_ =	strace $0xD0000000  }
0x3: {  	_ = 	snop  }
0x4: {  	_ = 	snop  }
0x5: {  	_ = 	snop  }
0x6: {  	_ = 	snop  }
0x7: {  	_ = 	snop  }
__scs_overlays_trampoline_lowered:
0x8: {  	[smem:$0x3FAB] =	sst s0  }
0x9: {  	[smem:$0x3FAC] =	sst s1  }
0xa: {  	[smem:$0x3FAD] =	sst s2  }
0xb: {  	[smem:$0x3FAE] =	sst s3  }
0xc: {  	[smem:$0x3FAF] =	sst s4  }
0xd: {  	[smem:$0x3FB0] =	sst s5  }
0xe: {  	[smem:$0x3FB1] =	sst s6  }
0xf: {  	[smem:$0x3FB2] =	sst s7  }
0x10: {  	[smem:$0x3FB3] =	sst s8  }
0x11: {  	[smem:$0x3FB4] =	sst s9;
	s0 =	simm.s32 @!p0 $0x0  }
0x12: {  	s1 =	sld [smem:$0x3F9A];
	s0 =	simm.s32 @p0 $0x1  }
0x13: {  	[smem:$0x3FB5] =	sst s0;
	s0 =	simm.s32 @!p1 $0x0  }
0x14: {  	s2 =	sld [smem:$0x3F99];
	s0 =	simm.s32 @p1 $0x1  }
0x15: {  	[smem:$0x3FB6] =	sst s0;
	s0 =	simm.s32 @!p2 $0x0  }
0x16: {  	s3 =	sld [smem:$0x3FDB];
	s0 =	simm.s32 @p2 $0x1  }
0x17: {  	s4 =	simm.s32 $0x1BF5;
	[smem:$0x3FB8] =	sst s0  }
0x18: {  	s0 =	sld [smem:$0x3F9B];
	_ =	swait.ge [sflag:s4], $0x0  }
0x19: {  	s7 =	sld [smem:$0x3F9C]  }
0x1a: {  	s8 =	sadd.s32 $0xFFFFE003, lr  }
0x1b: {  	s9 =	sadd.s32 $0xFFFFFEF7, lr;
	s5 =	simm.s32 $0xFFFFFFFF;
	p2 =	slt.u32 s8, $0xFFFFF086  }
0x1c: {  	p1 =	slt.u32 s9, $0xF7A;
	s5 =	simm.s32 @!p2 $0x0  }
0x1d: {  	s5 =	simm.s32 @p1 $0x1;
	p0 =	seq.s32 s7, s2  }
0x1e: {  	s7 =	smul.u32 @!p0 $0xF7A, s2;
	p2 =	seq.s32 @!p0 s5, $0x0  }
0x1f: {  	s9 =	smul.u32 $0xF7A, s1;
	s8 =	simm.s32 @!p0 $0x1BF5;
	p2 =	por !p2, p0  }
0x20: {  	[sflag:s8] =	ssyncset.s32 @!p0 $0xFFFFF086;
	s6 =	sadd.s32 @!p0 s3, s7;
	s7 =	simm.s32 @!p0 $0x108  }
0x21: {  	s3 =	sadd.s32 s3, s9;
	s6 =	sadd.s32 @!p0 $0x88, s6;
	s7 =	simm.s32 @p2 $0x1082  }
0x22: {  	[simem:s7], [sflag:s8] =	dma.local @!p0 [hbm:s6], $0xF7A  }
0x23: {  	s9 =	sor.u32 $0xD0000000, s2;
	s6 =	simm.s32 $0x108;
	_ =	swait.ge @!p0 [sflag:s8], $0x0  }
0x24: {  	s3 =	sadd.s32 $0x88, s3;
	s6 =	simm.s32 @!p1 $0x1082;
	[sflag:s4] =	ssyncset.s32 $0xFFFFF086  }
0x25: {  	[simem:s6], [sflag:s4] =	dma.local [hbm:s3], $0xF7A  }
0x26: {  	[smem:$0x3F9C] =	sst s1;
	(tag) =	ssettag s2;
	_ =	strace s9  }
0x27: {  	s1 =	sld [smem:$0x3FAC]  }
0x28: {  	s2 =	sld [smem:$0x3FAD]  }
0x29: {  	s4 =	sld [smem:$0x3FAF]  }
0x2a: {  	p0 =	seq.s32 s5, $0x0;
	s5 =	sld [smem:$0x3FB0]  }
0x2b: {  	s6 =	sld [smem:$0x3FB1]  }
0x2c: {  	s7 =	sld [smem:$0x3FB2]  }
0x2d: {  	s3 =	simm.s32 $0x108;
	s8 =	sld [smem:$0x3FB3]  }
0x2e: {  	s3 =	simm.s32 @!p0 $0x1082;
	s9 =	sld [smem:$0x3FB4]  }
0x2f: {  	lr =	sadd.s32 s0, s3;
	s0 =	sld [smem:$0x3FAB]  }
0x30: {  	s3 =	sld [smem:$0x3FAE]  }
0x31: {  	[smem:$0x3FB7] =	sst s10  }
0x32: {  	s10 =	sld [smem:$0x3FB5];
	_ =	sdelay $0x3  }
0x33: {  	p0 =	seq.s32 s10, $0x1;
	s10 =	sld [smem:$0x3FB7];
	_ =	sdelay $0x3  }
0x34: {  	[smem:$0x3FB7] =	sst s10  }
0x35: {  	s10 =	sld [smem:$0x3FB6];
	_ =	sdelay $0x3  }
0x36: {  	p1 =	seq.s32 s10, $0x1;
	s10 =	sld [smem:$0x3FB7];
	_ =	sdelay $0x3  }
0x37: {  	[smem:$0x3FB7] =	sst s10  }
0x38: {  	s10 =	sld [smem:$0x3FB8]  }
0x39: {  	_ = 	snop;
	(pc) =	sbr.ind lr, $3  }
0x3a: {  	_ = 	snop  }
0x3b: {  	_ = 	snop  }
0x3c: {  	p2 =	seq.s32 s10, $0x1;
	s10 =	sld [smem:$0x3FB7]  }
0x3d: {  	_ =	shalt  }
0x3e: {  	_ =	shalt  }
0x3f: {  	_ =	shalt  }
0x40: {  	_ =	shalt  }
0x41: {  	_ =	shalt  }
0x42: {  	_ =	shalt  }
0x43: {  	_ =	shalt  }
0x44: {  	_ =	shalt  }
0x45: {  	_ =	shalt  }
0x46: {  	_ =	shalt  }
0x47: {  	_ =	shalt  }
0x48: {  	_ =	shalt  }
0x49: {  	_ =	shalt  }
0x4a: {  	_ =	shalt  }
0x4b: {  	_ =	shalt  }
0x4c: {  	_ =	shalt  }
0x4d: {  	_ =	shalt  }
0x4e: {  	_ =	shalt  }
0x4f: {  	_ =	shalt  }
0x50: {  	_ =	shalt  }
0x51: {  	_ =	shalt  }
0x52: {  	_ =	shalt  }
0x53: {  	_ =	shalt  }
0x54: {  	_ =	shalt  }
0x55: {  	_ =	shalt  }
0x56: {  	_ =	shalt  }
0x57: {  	_ =	shalt  }
0x58: {  	_ =	shalt  }
0x59: {  	_ =	shalt  }
0x5a: {  	_ =	shalt  }
0x5b: {  	_ =	shalt  }
0x5c: {  	_ =	shalt  }
0x5d: {  	_ =	shalt  }
0x5e: {  	_ =	shalt  }
0x5f: {  	_ =	shalt  }
0x60: {  	_ =	shalt  }
0x61: {  	_ =	shalt  }
0x62: {  	_ =	shalt  }
0x63: {  	_ =	shalt  }
0x64: {  	_ =	shalt  }
0x65: {  	_ =	shalt  }
0x66: {  	_ =	shalt  }
0x67: {  	_ =	shalt  }
0x68: {  	_ =	shalt  }
0x69: {  	_ =	shalt  }
0x6a: {  	_ =	shalt  }
0x6b: {  	_ =	shalt  }
0x6c: {  	_ =	shalt  }
0x6d: {  	_ =	shalt  }
0x6e: {  	_ =	shalt  }
0x6f: {  	_ =	shalt  }
0x70: {  	_ =	shalt  }
0x71: {  	_ =	shalt  }
0x72: {  	_ =	shalt  }
0x73: {  	_ =	shalt  }
0x74: {  	_ =	shalt  }
0x75: {  	_ =	shalt  }
0x76: {  	_ =	shalt  }
0x77: {  	_ =	shalt  }
0x78: {  	_ =	shalt  }
0x79: {  	_ =	shalt  }
0x7a: {  	_ =	shalt  }
0x7b: {  	_ =	shalt  }
0x7c: {  	_ =	shalt  }
0x7d: {  	_ =	shalt  }
0x7e: {  	_ =	shalt  }
0x7f: {  	_ =	shalt  }
0x80: {  	_ =	shalt  }
0x81: {  	_ =	shalt  }
0x82: {  	_ =	shalt  }
0x83: {  	_ =	shalt  }
0x84: {  	_ =	shalt  }
0x85: {  	_ =	shalt  }
0x86: {  	_ =	shalt  }
0x87: {  	_ =	shalt  }
.Lfunc_end0:
.L_simem_size_0:
called_computation_lowered:
.L_overlay_start_0:
0x88: {  	s2 =	sld [smem:$0x3FD9]  }
0x89: {  	s3 =	sld [smem:$0x3FFE];
	_ =	sdelay $0x1  }
0x8a: {  	s1 =	srdreg.scid  }
0x8b: {  	s0 =	sand.u32 $0x1, s1  }
0x8c: {  	s18 =	sshll.u32 s0, $0xA;
	s2 =	sadd.s32 s3, s2  }
0x8d: {  	s2 =	sadd.s32 s2, s18  }
0x8e: {  	[smem:$0x3FC3] =	sst s2  }
0x8f: {  	_ = 	snop  }
0x90: {  	s2 =	sld [smem:$0x3FC9]  }
0x91: {  	s19 =	sld [smem:$0x3FC8]  }
0x92: {  	s4 =	sld [smem:$0x3FD0];
	(tm) =	ssettm $0x1  }
0x93: {  	s5 =	sld [smem:$0x3FFB];
	_ =	sdelay $0x3  }
0x94: {  	_ =	strace s5  }
0x95: {  	s5 =	sld [smem:$0x3FFC];
	_ =	sdelay $0x3  }
0x96: {  	_ =	strace s5  }
0x97: {  	s5 =	sld [smem:$0x3FFD];
	_ =	sdelay $0x3  }
0x98: {  	_ =	strace s5  }
0x99: {  	_ =	strace $0x8FFFFFFF  }
0x9a: {  	s20 =	sld [smem:$0x3FDB];
	_ =	sdelay $0x1  }
0x9b: {  	s6 =	simm.s32 $_scs_section_size  }
0x9c: {  	s7 =	simm.s32 $_size__tile_overlayer_lowered;
	s8 =	simm.s32 $_tile_overlayer_lowered  }
0x9d: {  	s23 =	simm.s32 $0x1BFF;
	s22 =	sshll.u32 s8, $0x1;
	s5 =	sadd.s32 s6, s20  }
0x9e: {  	s9 =	simm.s32 $0x0;
	s21 =	sshll.u32 s7, $0x1;
	s7 =	sadd.s32 s22, s5  }
0x9f: {  	[timem:s9], [sflag:s23] =	dma.local [hbm:s7], s21  }
0xa0: {  	_ =	swait.ge [sflag:s23], s21  }
0xa1: {  	s6 =	ssub.s32 $0x0, s21;
	[sflag:s23] =	ssyncset.done $0x0  }
0xa2: {  	[sflag:s23] =	ssyncadd.s32 s6;
	_ =	sdelay $0x1  }
0xa3: {  	s24 =	simm.s32 $0x1B8B  }
0xa4: {  	_ =	swait.ge [sflag:s24], $0x1  }
0xa5: {  	[sflag:s24] =	ssyncset.done $0x0  }
0xa6: {  	s25 =	simm.s32 $0x1B8E;
	[sflag:s24] =	ssyncadd.s32 $0xFFFFFFFF  }
0xa7: {  	s26 =	simm.s32 $execute0_lowered;
	[smem:$0x3FD2] =	sst s25  }
0xa8: {  	s6 =	sshll.u32 s26, $0x1;
	_ =	strace $0x80000046;
	[dreg:$0x1] =	wrdreg $0xFFFFFFFF  }
0xa9: {  	s28 =	simm.s32 $_size_execute0_lowered;
	s5 =	sadd.s32 s5, s6;
	[dreg:$0x0] =	wrdreg $0x0  }
0xaa: {  	s6 =	sshll.u32 s28, $0x1;
	[dreg:$0x2] =	wrdreg s5  }
0xab: {  	[dreg:$0x3] =	wrdreg s6  }
0xac: {  	[dreg:$0x4] =	wrdreg $0xC0  }
0xad: {  	_ =	task [dreg:s9], $0x5FFFF  }
0xae: {  	[dreg:$0x1] =	wrdreg $0xFFFFFFFF  }
0xaf: {  	[dreg:$0x0] =	wrdreg $0x60  }
0xb0: {  	[dreg:$0x2] =	wrdreg s19  }
0xb1: {  	[dreg:$0x3] =	wrdreg s2  }
0xb2: {  	[dreg:$0x4] =	wrdreg s4  }
0xb3: {  	[dreg:$0x5] =	wrdreg $0x9  }
0xb4: {  	_ =	task.clear_ibuf [dreg:s9], $0x6FFFF;
	_ =	strace $0x90000046  }
0xb5: {  	s29 =	simm.s32 $0x9;
	_ =	strace $0x80000048  }
0xb6: {  	_ =	swait.ge [sflag:s29], $0x1  }
0xb7: {  	[sflag:s29] =	ssyncadd.s32 $0xFFFFFFFF  }
0xb8: {  	_ =	strace $0x90000048  }
0xb9: {  	_ =	sfence  }
0xba: {  	s30 =	sld [smem:$0x0];
	_ =	sdelay $0x2  }
0xbb: {  	s31 =	sshll.u32 s1, $0xD;
	s1 =	sshrl.u32 s1, $0x2  }
0xbc: {  	s3 =	sand.u32 $0x4000, s31;
	s1 =	sadd.s32 s1, s30  }
0xbd: {  	s0 =	sor.u32 s3, s0;
	s1 =	sshll.u32 s1, $0x11  }
0xbe: {  	s0 =	sor.u32 s1, s0  }
0xbf: {  	s0 =	sadd.s32 $0x8F2B, s0  }
0xc0: {  	[sflag:s0] =	ssyncadd.remote.s32 $0x1  }
0xc1: {  	_ =	sfence.sel $0xFFFF  }
0xc2: {  	[dreg:$0x0] =	wrdreg $0xFFFFFFFF;
	(pc) =	sbr.abs _section_cstart, $3  }
0xc3: {  	[dreg:$0x1] =	wrdreg $0xFFFFFFFF  }
0xc4: {  	_ =	task.clear_ibuf [dreg:s9], $0x2FFFF;
	_ =	strace $0x9FFFFFFF  }
0xc5: {  	(tm) =	ssettm $0x7FFFFFFF  }
tec
execute0_lowered:
.L_overlay_start_1:
0x0: {  	(tag) =	ssettag $0x1  }
0x1: {  	s1 =	rddreg [dreg:$0x0]  }
0x2: {  	s2 =	rddreg [dreg:$0x1];
	s3 =	srdreg.scid  }
0x3: {  	s0 =	stileid.u32;
	s4 =	rddreg [dreg:$0x2]  }
0x4: {  	s14 =	simm.s32 $0x880;
	s15 =	simm.s32 $0x1080;
	s16 =	simm.s32 $0x1880  }
0x5: {  	s17 =	simm.s32 $0x2080;
	s5 =	sand.u32 $0x1, s3;
	s3 =	simm.s32 $0x0  }
0x6: {  	s18 =	simm.s32 $0x2880;
	s19 =	simm.s32 $0x3080;
	[smem:$0x7FF] =	sst s3  }
0x7: {  	s21 =	simm.s32 $0x3880;
	_ =	strace $0x80000047;
	[dreg:$0x6] =	wrdreg s14  }
0x8: {  	s22 =	simm.s32 $0x4080;
	s23 =	simm.s32 $0x4880;
	[dreg:$0x7] =	wrdreg s15  }
0x9: {  	s24 =	simm.s32 $0x5080;
	s25 =	simm.s32 $0x5880;
	[dreg:$0x8] =	wrdreg s16  }
0xa: {  	s26 =	simm.s32 $0x6080;
	s10 =	simm.s32 $0x7080;
	[dreg:$0x9] =	wrdreg s17  }
0xb: {  	s11 =	simm.s32 $0x7880;
	s28 =	simm.s32 $0xF880;
	[dreg:$0xa] =	wrdreg s18  }
0xc: {  	s29 =	simm.s32 $0x1;
	s30 =	simm.s32 $0x2;
	[dreg:$0xb] =	wrdreg s19  }
0xd: {  	s31 =	simm.s32 $0x3;
	s6 =	sshll.u32 s0, $0x1;
	[dreg:$0xc] =	wrdreg s21  }
0xe: {  	s7 =	sor.u32 s5, s6;
	s6 =	sand.u32 $0x10, s6;
	[dreg:$0xd] =	wrdreg s22  }
0xf: {  	s5 =	ssub.s32 $0x2, s5;
	s8 =	sshll.u32 s7, $0x6;
	[dreg:$0xe] =	wrdreg s23  }
0x10: {  	s2 =	sadd.s32 s2, s6;
	s12 =	sshll.u32 s7, $0xD;
	[dreg:$0xf] =	wrdreg s24  }
0x11: {  	s20 =	sshrl.u32 s5, $0x1;
	s7 =	simm.s32 $0x5;
	[dreg:$0x10] =	wrdreg s25  }
0x12: {  	[dreg:$0x11] =	wrdreg s26;
	s14 =	simm.s32 $0x9080;
	s15 =	simm.s32 $0x9880  }
0x13: {  	s16 =	simm.s32 $0xA080;
	s17 =	simm.s32 $0xA880;
	s18 =	simm.s32 $0xB080  }
0x14: {  	s19 =	simm.s32 $0xB880;
	s21 =	simm.s32 $0xC880;
	s22 =	simm.s32 $0xD080  }
0x15: {  	s23 =	simm.s32 $0xD880;
	s24 =	simm.s32 $0xE080;
	s25 =	simm.s32 $0xE880  }
0x16: {  	s26 =	simm.s32 $0xF080;
	s8 =	sand.u32 $0x3C0, s8;
	s4 =	sadd.s32 s4, s12  }
0x17: {  	s6 =	ssub.s32 s5, s20;
	s5 =	sadd.s32 $0x100, s1;
	s12 =	simm.s32 $0x8080  }
0x18: {  	v2 =	vlaneseq.u32;
	s20 =	simm.s32 $0xC080;
	s2 =	sadd.s32 s8, s2;
	s13 =	sadd.s32 $0x1000, s4  }
0x19: {  	vm0 =	vmmov $0xffff;
	v1 =	vshrl.u32 v2, $0x3;
	s6 =	smax.u32 s6, $0x1;
	s8 =	simm.s32 $0x80;
	[dreg:$0x4] =	wrdreg s2  }
0x1a: {  	v0 =	vand.u32 $0x7, v2;
	v2 =	vor.u32 $0x8, v2;
	v1 =	vmul.u32 $0x8, v1;
	[dreg:$0x5] =	wrdreg s13;
	s13 =	simm.s32 $0x8880;
	s2 =	simm.s32 $0x4  }
.LBB2_1:
0x1b: {  	s0 =	rddreg [dreg:$0x4]  }
0x1c: {  	[tilespmem:s3], [sflag:$0x5] =	stream.linear.gather [hbm4b:s0+s3], $0x80, $0x38;
	[tilespmem:$0x10080] =	vst v63  }
0x1d: {  	_ =	swait.ge [sflag:s7], $0x80  }
0x1e: {  	[sflag:s7] =	ssyncset.done $0x0  }
0x1f: {  	[sflag:s7] =	ssyncadd.s32 $0xFFFFFF80  }
0x20: {  	v3 =	vld [tilespmem:$0x0];
	_ =	sdelay $0x4  }
0x21: {  	v4 =	vshll.u32 v3, $0x2  }
0x22: {  	v3 =	vand.u32 $0x7, v3;
	v4 =	vand.u32 $0xFFFFFFE0, v4  }
0x23: {  	v3 =	vor.u32 v3, v4  }
0x24: {  	v4 =	vperm.xlane v3, v0;
	_ =	sdelay $0x1  }
0x25: {  	v4 =	vadd.s32 v1, v4;
	_ =	sdelay $0x1  }
0x26: {  	v3 =	vperm.xlane v3, v2;
	_ =	sdelay $0x1  }
0x27: {  	v3 =	vadd.s32 v1, v3  }
0x28: {  	[tilespmem:s8], [sflag:$0x1] =	stream.indirect_vreg.gather [hbm4b:s1+s3], $0x80, v4, vm0, $0xb8;
	[tilespmem:$0x10080] =	vst v63  }
0x29: {  	s0 =	rddreg [dreg:$0x6]  }
0x2a: {  	[tilespmem:s0], [sflag:$0x1] =	stream.indirect_vreg.gather [hbm4b:s5+s3], $0x80, v4, vm0, $0xb8;
	[tilespmem:$0x10080] =	vst v63  }
0x2b: {  	s9 =	rddreg [dreg:$0x7]  }
0x2c: {  	[tilespmem:s9], [sflag:$0x1] =	stream.indirect_vreg.gather [hbm4b:s1+s3], $0x80, v3, vm0, $0xb8;
	[tilespmem:$0x10080] =	vst v63  }
0x2d: {  	s0 =	rddreg [dreg:$0x8]  }
0x2e: {  	[tilespmem:s0], [sflag:$0x1] =	stream.indirect_vreg.gather [hbm4b:s5+s3], $0x80, v3, vm0, $0xb8;
	[tilespmem:$0x10080] =	vst v63  }
0x2f: {  	v3 =	vld [tilespmem:$0x10];
	_ =	sdelay $0x4  }
0x30: {  	v57 =	vshll.u32 v3, $0x2  }
0x31: {  	v3 =	vand.u32 $0x7, v3;
	v4 =	vand.u32 $0xFFFFFFE0, v57  }
0x32: {  	v3 =	vor.u32 v3, v4  }
0x33: {  	v4 =	vperm.xlane v3, v0;
	_ =	sdelay $0x1  }
0x34: {  	v4 =	vadd.s32 v1, v4;
	_ =	sdelay $0x1  }
0x35: {  	v3 =	vperm.xlane v3, v2;
	_ =	sdelay $0x1  }
0x36: {  	s0 =	rddreg [dreg:$0x9];
	v3 =	vadd.s32 v1, v3  }
0x37: {  	[tilespmem:s0], [sflag:$0x1] =	stream.indirect_vreg.gather [hbm4b:s1+s3], $0x80, v4, vm0, $0xb8;
	[tilespmem:$0x10080] =	vst v63  }
0x38: {  	s9 =	rddreg [dreg:$0xa]  }
0x39: {  	[tilespmem:s9], [sflag:$0x1] =	stream.indirect_vreg.gather [hbm4b:s5+s3], $0x80, v4, vm0, $0xb8;
	[tilespmem:$0x10080] =	vst v63  }
0x3a: {  	s0 =	rddreg [dreg:$0xb]  }
0x3b: {  	[tilespmem:s0], [sflag:$0x1] =	stream.indirect_vreg.gather [hbm4b:s1+s3], $0x80, v3, vm0, $0xb8;
	[tilespmem:$0x10080] =	vst v63  }
0x3c: {  	s9 =	rddreg [dreg:$0xc]  }
0x3d: {  	[tilespmem:s9], [sflag:$0x1] =	stream.indirect_vreg.gather [hbm4b:s5+s3], $0x80, v3, vm0, $0xb8;
	[tilespmem:$0x10080] =	vst v63  }
0x3e: {  	v3 =	vld [tilespmem:$0x20];
	_ =	sdelay $0x4  }
0x3f: {  	v58 =	vshll.u32 v3, $0x2  }
0x40: {  	v3 =	vand.u32 $0x7, v3;
	v4 =	vand.u32 $0xFFFFFFE0, v58  }
0x41: {  	v3 =	vor.u32 v3, v4  }
0x42: {  	v4 =	vperm.xlane v3, v0;
	_ =	sdelay $0x1  }
0x43: {  	v4 =	vadd.s32 v1, v4;
	_ =	sdelay $0x1  }
0x44: {  	v3 =	vperm.xlane v3, v2;
	_ =	sdelay $0x1  }
0x45: {  	s0 =	rddreg [dreg:$0xd];
	v3 =	vadd.s32 v1, v3  }
0x46: {  	[tilespmem:s0], [sflag:$0x1] =	stream.indirect_vreg.gather [hbm4b:s1+s3], $0x80, v4, vm0, $0xb8;
	[tilespmem:$0x10080] =	vst v63  }
0x47: {  	s9 =	rddreg [dreg:$0xe]  }
0x48: {  	[tilespmem:s9], [sflag:$0x1] =	stream.indirect_vreg.gather [hbm4b:s5+s3], $0x80, v4, vm0, $0xb8;
	[tilespmem:$0x10080] =	vst v63  }
0x49: {  	s0 =	rddreg [dreg:$0xf]  }
0x4a: {  	[tilespmem:s0], [sflag:$0x1] =	stream.indirect_vreg.gather [hbm4b:s1+s3], $0x80, v3, vm0, $0xb8;
	[tilespmem:$0x10080] =	vst v63  }
0x4b: {  	s9 =	rddreg [dreg:$0x10]  }
0x4c: {  	[tilespmem:s9], [sflag:$0x1] =	stream.indirect_vreg.gather [hbm4b:s5+s3], $0x80, v3, vm0, $0xb8;
	[tilespmem:$0x10080] =	vst v63  }
0x4d: {  	v3 =	vld [tilespmem:$0x30];
	_ =	sdelay $0x4  }
0x4e: {  	v59 =	vshll.u32 v3, $0x2  }
0x4f: {  	v3 =	vand.u32 $0x7, v3;
	v4 =	vand.u32 $0xFFFFFFE0, v59  }
0x50: {  	v3 =	vor.u32 v3, v4  }
0x51: {  	v4 =	vperm.xlane v3, v0;
	_ =	sdelay $0x1  }
0x52: {  	v4 =	vadd.s32 v1, v4;
	_ =	sdelay $0x1  }
0x53: {  	v3 =	vperm.xlane v3, v2;
	_ =	sdelay $0x1  }
0x54: {  	s9 =	rddreg [dreg:$0x11];
	v3 =	vadd.s32 v1, v3  }
0x55: {  	[tilespmem:s9], [sflag:$0x1] =	stream.indirect_vreg.gather [hbm4b:s1+s3], $0x80, v4, vm0, $0xb8;
	[tilespmem:$0x10080] =	vst v63  }
0x56: {  	s9 =	simm.s32 $0x6880  }
0x57: {  	[tilespmem:s9], [sflag:$0x1] =	stream.indirect_vreg.gather [hbm4b:s5+s3], $0x80, v4, vm0, $0xb8;
	[tilespmem:$0x10080] =	vst v63  }
0x58: {  	_ = 	snop  }
0x59: {  	[tilespmem:s10], [sflag:$0x1] =	stream.indirect_vreg.gather [hbm4b:s1+s3], $0x80, v3, vm0, $0xb8;
	[tilespmem:$0x10080] =	vst v63  }
0x5a: {  	_ = 	snop  }
0x5b: {  	[tilespmem:s11], [sflag:$0x1] =	stream.indirect_vreg.gather [hbm4b:s5+s3], $0x80, v3, vm0, $0xb8;
	[tilespmem:$0x10080] =	vst v63  }
0x5c: {  	v3 =	vld [tilespmem:$0x40];
	_ =	sdelay $0x4  }
0x5d: {  	v60 =	vshll.u32 v3, $0x2  }
0x5e: {  	v3 =	vand.u32 $0x7, v3;
	v4 =	vand.u32 $0xFFFFFFE0, v60  }
0x5f: {  	v3 =	vor.u32 v3, v4  }
0x60: {  	v4 =	vperm.xlane v3, v0;
	_ =	sdelay $0x1  }
0x61: {  	v4 =	vadd.s32 v1, v4;
	_ =	sdelay $0x1  }
0x62: {  	v3 =	vperm.xlane v3, v2;
	_ =	sdelay $0x1  }
0x63: {  	v3 =	vadd.s32 v1, v3  }
0x64: {  	[tilespmem:s12], [sflag:$0x2] =	stream.indirect_vreg.gather [hbm4b:s1+s3], $0x80, v4, vm0, $0xb8;
	[tilespmem:$0x10080] =	vst v63  }
0x65: {  	_ = 	snop  }
0x66: {  	[tilespmem:s13], [sflag:$0x2] =	stream.indirect_vreg.gather [hbm4b:s5+s3], $0x80, v4, vm0, $0xb8;
	[tilespmem:$0x10080] =	vst v63  }
0x67: {  	_ = 	snop  }
0x68: {  	[tilespmem:s14], [sflag:$0x2] =	stream.indirect_vreg.gather [hbm4b:s1+s3], $0x80, v3, vm0, $0xb8;
	[tilespmem:$0x10080] =	vst v63  }
0x69: {  	_ = 	snop  }
0x6a: {  	[tilespmem:s15], [sflag:$0x2] =	stream.indirect_vreg.gather [hbm4b:s5+s3], $0x80, v3, vm0, $0xb8;
	[tilespmem:$0x10080] =	vst v63  }
0x6b: {  	v3 =	vld [tilespmem:$0x50];
	_ =	sdelay $0x4  }
0x6c: {  	v61 =	vshll.u32 v3, $0x2  }
0x6d: {  	v3 =	vand.u32 $0x7, v3;
	v4 =	vand.u32 $0xFFFFFFE0, v61  }
0x6e: {  	v3 =	vor.u32 v3, v4  }
0x6f: {  	v4 =	vperm.xlane v3, v0;
	_ =	sdelay $0x1  }
0x70: {  	v4 =	vadd.s32 v1, v4;
	_ =	sdelay $0x1  }
0x71: {  	v3 =	vperm.xlane v3, v2;
	_ =	sdelay $0x1  }
0x72: {  	v3 =	vadd.s32 v1, v3  }
0x73: {  	[tilespmem:s16], [sflag:$0x2] =	stream.indirect_vreg.gather [hbm4b:s1+s3], $0x80, v4, vm0, $0xb8;
	[tilespmem:$0x10080] =	vst v63  }
0x74: {  	_ = 	snop  }
0x75: {  	[tilespmem:s17], [sflag:$0x2] =	stream.indirect_vreg.gather [hbm4b:s5+s3], $0x80, v4, vm0, $0xb8;
	[tilespmem:$0x10080] =	vst v63  }
0x76: {  	_ = 	snop  }
0x77: {  	[tilespmem:s18], [sflag:$0x2] =	stream.indirect_vreg.gather [hbm4b:s1+s3], $0x80, v3, vm0, $0xb8;
	[tilespmem:$0x10080] =	vst v63  }
0x78: {  	_ = 	snop  }
0x79: {  	[tilespmem:s19], [sflag:$0x2] =	stream.indirect_vreg.gather [hbm4b:s5+s3], $0x80, v3, vm0, $0xb8;
	[tilespmem:$0x10080] =	vst v63  }
0x7a: {  	v3 =	vld [tilespmem:$0x60];
	_ =	sdelay $0x4  }
0x7b: {  	v62 =	vshll.u32 v3, $0x2  }
0x7c: {  	v3 =	vand.u32 $0x7, v3;
	v4 =	vand.u32 $0xFFFFFFE0, v62  }
0x7d: {  	v3 =	vor.u32 v3, v4  }
0x7e: {  	v4 =	vperm.xlane v3, v0;
	_ =	sdelay $0x1  }
0x7f: {  	v4 =	vadd.s32 v1, v4;
	_ =	sdelay $0x1  }
0x80: {  	v3 =	vperm.xlane v3, v2;
	_ =	sdelay $0x1  }
0x81: {  	v3 =	vadd.s32 v1, v3  }
0x82: {  	[tilespmem:s20], [sflag:$0x2] =	stream.indirect_vreg.gather [hbm4b:s1+s3], $0x80, v4, vm0, $0xb8;
	[tilespmem:$0x10080] =	vst v63  }
0x83: {  	_ = 	snop  }
0x84: {  	[tilespmem:s21], [sflag:$0x2] =	stream.indirect_vreg.gather [hbm4b:s5+s3], $0x80, v4, vm0, $0xb8;
	[tilespmem:$0x10080] =	vst v63  }
0x85: {  	_ = 	snop  }
0x86: {  	[tilespmem:s22], [sflag:$0x2] =	stream.indirect_vreg.gather [hbm4b:s1+s3], $0x80, v3, vm0, $0xb8;
	[tilespmem:$0x10080] =	vst v63  }
0x87: {  	_ = 	snop  }
0x88: {  	[tilespmem:s23], [sflag:$0x2] =	stream.indirect_vreg.gather [hbm4b:s5+s3], $0x80, v3, vm0, $0xb8;
	[tilespmem:$0x10080] =	vst v63  }
0x89: {  	v3 =	vld [tilespmem:$0x70];
	_ =	sdelay $0x4  }
0x8a: {  	v63 =	vshll.u32 v3, $0x2  }
0x8b: {  	v3 =	vand.u32 $0x7, v3;
	v4 =	vand.u32 $0xFFFFFFE0, v63  }
0x8c: {  	v3 =	vor.u32 v3, v4  }
0x8d: {  	v4 =	vperm.xlane v3, v0;
	_ =	sdelay $0x1  }
0x8e: {  	v4 =	vadd.s32 v1, v4;
	_ =	sdelay $0x1  }
0x8f: {  	v3 =	vperm.xlane v3, v2;
	_ =	sdelay $0x1  }
0x90: {  	v3 =	vadd.s32 v1, v3  }
0x91: {  	[tilespmem:s24], [sflag:$0x2] =	stream.indirect_vreg.gather [hbm4b:s1+s3], $0x80, v4, vm0, $0xb8;
	[tilespmem:$0x10080] =	vst v63  }
0x92: {  	_ = 	snop  }
0x93: {  	[tilespmem:s25], [sflag:$0x2] =	stream.indirect_vreg.gather [hbm4b:s5+s3], $0x80, v4, vm0, $0xb8;
	[tilespmem:$0x10080] =	vst v63  }
0x94: {  	_ = 	snop  }
0x95: {  	[tilespmem:s26], [sflag:$0x2] =	stream.indirect_vreg.gather [hbm4b:s1+s3], $0x80, v3, vm0, $0xb8;
	[tilespmem:$0x10080] =	vst v63  }
0x96: {  	_ = 	snop  }
0x97: {  	[tilespmem:s28], [sflag:$0x2] =	stream.indirect_vreg.gather [hbm4b:s5+s3], $0x80, v3, vm0, $0xb8;
	[tilespmem:$0x10080] =	vst v63  }
0x98: {  	_ =	swait.ge [sflag:s29], $0x8000  }
0x99: {  	[sflag:s29] =	ssyncset.done $0x0  }
0x9a: {  	[sflag:s29] =	ssyncadd.s32 $0xFFFF8000  }
0x9b: {  	[hbm4b:s4+s3] =	stream.linear.scatter [tilespmem:s8], [sflag:$0x3], $0x8000, $0x38;
	[tilespmem:$0x10080] =	vst v63  }
0x9c: {  	_ =	swait.ge [sflag:s30], $0x8000  }
0x9d: {  	[sflag:s30] =	ssyncset.done $0x0  }
0x9e: {  	s9 =	rddreg [dreg:$0x5];
	[sflag:s30] =	ssyncadd.s32 $0xFFFF8000  }
0x9f: {  	[hbm4b:s9+s3] =	stream.linear.scatter [tilespmem:s12], [sflag:$0x4], $0x8000, $0x38;
	[tilespmem:$0x10080] =	vst v63  }
0xa0: {  	p0 =	sne.s32 s6, $0x1;
	_ =	swait.ge [sflag:s31], $0x8000  }
.Ltmp0:
0xa1: {  	[sflag:s31] =	ssyncset.done $0x0;
	(pc) =	sbr.rel @p0 .LBB2_1-.Ltmp0, $4  }
0xa2: {  	[sflag:s31] =	ssyncadd.s32 $0xFFFF8000  }
0xa3: {  	_ =	swait.ge [sflag:s2], $0x8000  }
0xa4: {  	[sflag:s2] =	ssyncset.done $0x0  }
0xa5: {  	s6 =	sadd.s32 $0xFFFFFFFF, s6;
	[sflag:s2] =	ssyncadd.s32 $0xFFFF8000  }
0xa6: {  	_ =	sfence.sel $0x180000  }
0xa7: {  	[bflag:$0x0] =	sbarrier.arrive $0xFFFF  }
0xa8: {  	_ =	strace $0x90000047  }
0xa9: {  	s0 =	stileid.u32;
	[bflag:$0x2] =	sbarrier.arrive $0xFFFF  }
0xaa: {  	p0 =	sne.s32 s0, $0x0;
	s0 =	rddreg [dreg:$0x3]  }
0xab: {  	s0 =	sadd.s32 @!p0 $0x100000, s0  }
0xac: {  	[sflag:s0] =	ssyncadd.tile.s32 @!p0 $0x1;
	_ =	shalt  }
.Lfunc_end2:
_tile_overlayer_lowered:
.L_overlay_start_2:
0xad: {  	(tag) =	ssettag $0x2  }
0xae: {  	s0 =	rddreg [dreg:$0x0];
	s2 =	stileid.u32  }
0xaf: {  	s1 =	rddreg [dreg:$0x1];
	p0 =	sne.s32 s2, $0x0  }
0xb0: {  	s3 =	rddreg [dreg:$0x2];
	[bflag:$0x3] =	sbarrier.arrive $0xFFFF;
	s2 =	simm.s32 @!p0 $0x1C05  }
0xb1: {  	[timem:s3], [sflag:s2] =	dma.local @!p0 [hbm:s0], s1  }
0xb2: {  	s0 =	simm.s32 @!p0 $0x5  }
0xb3: {  	_ =	swait.ge @!p0 [sflag:s0], s1  }
0xb4: {  	s1 =	ssub.s32 @!p0 $0x0, s1;
	[sflag:s0] =	ssyncset.done @!p0 $0x0  }
0xb5: {  	[sflag:s0] =	ssyncadd.s32 @!p0 s1  }
0xb6: {  	[bflag:$0x3] =	sbarrier.arrive $0xFFFF  }
0xb7: {  	_ =	shalt  }

// kernel: kernel.9.cloned.1.call-start
scs
__scs_entry_jumppad:
0x0: {  	(pc) =	sbr.rel $0x88, $3  }
0x1: {  	(tag) =	ssettag $0x0;
	lr =	simm.s32 $0x1  }
0x2: {  	[smem:$0x3F9C] =	sst lr;
	_ =	strace $0xD0000000  }
0x3: {  	_ = 	snop  }
0x4: {  	_ = 	snop  }
0x5: {  	_ = 	snop  }
0x6: {  	_ = 	snop  }
0x7: {  	_ = 	snop  }
__scs_overlays_trampoline_lowered:
0x8: {  	[smem:$0x3FAB] =	sst s0  }
0x9: {  	[smem:$0x3FAC] =	sst s1  }
0xa: {  	[smem:$0x3FAD] =	sst s2  }
0xb: {  	[smem:$0x3FAE] =	sst s3  }
0xc: {  	[smem:$0x3FAF] =	sst s4  }
0xd: {  	[smem:$0x3FB0] =	sst s5  }
0xe: {  	[smem:$0x3FB1] =	sst s6  }
0xf: {  	[smem:$0x3FB2] =	sst s7  }
0x10: {  	[smem:$0x3FB3] =	sst s8  }
0x11: {  	[smem:$0x3FB4] =	sst s9;
	s0 =	simm.s32 @!p0 $0x0  }
0x12: {  	s1 =	sld [smem:$0x3F9A];
	s0 =	simm.s32 @p0 $0x1  }
0x13: {  	[smem:$0x3FB5] =	sst s0;
	s0 =	simm.s32 @!p1 $0x0  }
0x14: {  	s2 =	sld [smem:$0x3F99];
	s0 =	simm.s32 @p1 $0x1  }
0x15: {  	[smem:$0x3FB6] =	sst s0;
	s0 =	simm.s32 @!p2 $0x0  }
0x16: {  	s3 =	sld [smem:$0x3FDB];
	s0 =	simm.s32 @p2 $0x1  }
0x17: {  	s4 =	simm.s32 $0x1BF5;
	[smem:$0x3FB8] =	sst s0  }
0x18: {  	s0 =	sld [smem:$0x3F9B];
	_ =	swait.ge [sflag:s4], $0x0  }
0x19: {  	s7 =	sld [smem:$0x3F9C]  }
0x1a: {  	s8 =	sadd.s32 $0xFFFFE003, lr  }
0x1b: {  	s9 =	sadd.s32 $0xFFFFFEF7, lr;
	s5 =	simm.s32 $0xFFFFFFFF;
	p2 =	slt.u32 s8, $0xFFFFF086  }
0x1c: {  	p1 =	slt.u32 s9, $0xF7A;
	s5 =	simm.s32 @!p2 $0x0  }
0x1d: {  	s5 =	simm.s32 @p1 $0x1;
	p0 =	seq.s32 s7, s2  }
0x1e: {  	s7 =	smul.u32 @!p0 $0xF7A, s2;
	p2 =	seq.s32 @!p0 s5, $0x0  }
0x1f: {  	s9 =	smul.u32 $0xF7A, s1;
	s8 =	simm.s32 @!p0 $0x1BF5;
	p2 =	por !p2, p0  }
0x20: {  	[sflag:s8] =	ssyncset.s32 @!p0 $0xFFFFF086;
	s6 =	sadd.s32 @!p0 s3, s7;
	s7 =	simm.s32 @!p0 $0x108  }
0x21: {  	s3 =	sadd.s32 s3, s9;
	s6 =	sadd.s32 @!p0 $0x88, s6;
	s7 =	simm.s32 @p2 $0x1082  }
0x22: {  	[simem:s7], [sflag:s8] =	dma.local @!p0 [hbm:s6], $0xF7A  }
0x23: {  	s9 =	sor.u32 $0xD0000000, s2;
	s6 =	simm.s32 $0x108;
	_ =	swait.ge @!p0 [sflag:s8], $0x0  }
0x24: {  	s3 =	sadd.s32 $0x88, s3;
	s6 =	simm.s32 @!p1 $0x1082;
	[sflag:s4] =	ssyncset.s32 $0xFFFFF086  }
0x25: {  	[simem:s6], [sflag:s4] =	dma.local [hbm:s3], $0xF7A  }
0x26: {  	[smem:$0x3F9C] =	sst s1;
	(tag) =	ssettag s2;
	_ =	strace s9  }
0x27: {  	s1 =	sld [smem:$0x3FAC]  }
0x28: {  	s2 =	sld [smem:$0x3FAD]  }
0x29: {  	s4 =	sld [smem:$0x3FAF]  }
0x2a: {  	p0 =	seq.s32 s5, $0x0;
	s5 =	sld [smem:$0x3FB0]  }
0x2b: {  	s6 =	sld [smem:$0x3FB1]  }
0x2c: {  	s7 =	sld [smem:$0x3FB2]  }
0x2d: {  	s3 =	simm.s32 $0x108;
	s8 =	sld [smem:$0x3FB3]  }
0x2e: {  	s3 =	simm.s32 @!p0 $0x1082;
	s9 =	sld [smem:$0x3FB4]  }
0x2f: {  	lr =	sadd.s32 s0, s3;
	s0 =	sld [smem:$0x3FAB]  }
0x30: {  	s3 =	sld [smem:$0x3FAE]  }
0x31: {  	[smem:$0x3FB7] =	sst s10  }
0x32: {  	s10 =	sld [smem:$0x3FB5];
	_ =	sdelay $0x3  }
0x33: {  	p0 =	seq.s32 s10, $0x1;
	s10 =	sld [smem:$0x3FB7];
	_ =	sdelay $0x3  }
0x34: {  	[smem:$0x3FB7] =	sst s10  }
0x35: {  	s10 =	sld [smem:$0x3FB6];
	_ =	sdelay $0x3  }
0x36: {  	p1 =	seq.s32 s10, $0x1;
	s10 =	sld [smem:$0x3FB7];
	_ =	sdelay $0x3  }
0x37: {  	[smem:$0x3FB7] =	sst s10  }
0x38: {  	s10 =	sld [smem:$0x3FB8]  }
0x39: {  	_ = 	snop;
	(pc) =	sbr.ind lr, $3  }
0x3a: {  	_ = 	snop  }
0x3b: {  	_ = 	snop  }
0x3c: {  	p2 =	seq.s32 s10, $0x1;
	s10 =	sld [smem:$0x3FB7]  }
0x3d: {  	_ =	shalt  }
0x3e: {  	_ =	shalt  }
0x3f: {  	_ =	shalt  }
0x40: {  	_ =	shalt  }
0x41: {  	_ =	shalt  }
0x42: {  	_ =	shalt  }
0x43: {  	_ =	shalt  }
0x44: {  	_ =	shalt  }
0x45: {  	_ =	shalt  }
0x46: {  	_ =	shalt  }
0x47: {  	_ =	shalt  }
0x48: {  	_ =	shalt  }
0x49: {  	_ =	shalt  }
0x4a: {  	_ =	shalt  }
0x4b: {  	_ =	shalt  }
0x4c: {  	_ =	shalt  }
0x4d: {  	_ =	shalt  }
0x4e: {  	_ =	shalt  }
0x4f: {  	_ =	shalt  }
0x50: {  	_ =	shalt  }
0x51: {  	_ =	shalt  }
0x52: {  	_ =	shalt  }
0x53: {  	_ =	shalt  }
0x54: {  	_ =	shalt  }
0x55: {  	_ =	shalt  }
0x56: {  	_ =	shalt  }
0x57: {  	_ =	shalt  }
0x58: {  	_ =	shalt  }
0x59: {  	_ =	shalt  }
0x5a: {  	_ =	shalt  }
0x5b: {  	_ =	shalt  }
0x5c: {  	_ =	shalt  }
0x5d: {  	_ =	shalt  }
0x5e: {  	_ =	shalt  }
0x5f: {  	_ =	shalt  }
0x60: {  	_ =	shalt  }
0x61: {  	_ =	shalt  }
0x62: {  	_ =	shalt  }
0x63: {  	_ =	shalt  }
0x64: {  	_ =	shalt  }
0x65: {  	_ =	shalt  }
0x66: {  	_ =	shalt  }
0x67: {  	_ =	shalt  }
0x68: {  	_ =	shalt  }
0x69: {  	_ =	shalt  }
0x6a: {  	_ =	shalt  }
0x6b: {  	_ =	shalt  }
0x6c: {  	_ =	shalt  }
0x6d: {  	_ =	shalt  }
0x6e: {  	_ =	shalt  }
0x6f: {  	_ =	shalt  }
0x70: {  	_ =	shalt  }
0x71: {  	_ =	shalt  }
0x72: {  	_ =	shalt  }
0x73: {  	_ =	shalt  }
0x74: {  	_ =	shalt  }
0x75: {  	_ =	shalt  }
0x76: {  	_ =	shalt  }
0x77: {  	_ =	shalt  }
0x78: {  	_ =	shalt  }
0x79: {  	_ =	shalt  }
0x7a: {  	_ =	shalt  }
0x7b: {  	_ =	shalt  }
0x7c: {  	_ =	shalt  }
0x7d: {  	_ =	shalt  }
0x7e: {  	_ =	shalt  }
0x7f: {  	_ =	shalt  }
0x80: {  	_ =	shalt  }
0x81: {  	_ =	shalt  }
0x82: {  	_ =	shalt  }
0x83: {  	_ =	shalt  }
0x84: {  	_ =	shalt  }
0x85: {  	_ =	shalt  }
0x86: {  	_ =	shalt  }
0x87: {  	_ =	shalt  }
.Lfunc_end0:
.L_simem_size_0:
called_computation.1_lowered:
.L_overlay_start_0:
0x88: {  	s2 =	sld [smem:$0x3FD9]  }
0x89: {  	s3 =	sld [smem:$0x3FFE];
	_ =	sdelay $0x1  }
0x8a: {  	s1 =	srdreg.scid  }
0x8b: {  	s0 =	sand.u32 $0x1, s1  }
0x8c: {  	s17 =	sshll.u32 s0, $0xA;
	s2 =	sadd.s32 s3, s2  }
0x8d: {  	s2 =	sadd.s32 s2, s17  }
0x8e: {  	[smem:$0x3FC3] =	sst s2  }
0x8f: {  	_ = 	snop  }
0x90: {  	s18 =	sld [smem:$0x3FC9]  }
0x91: {  	s4 =	sld [smem:$0x3FC8];
	(tm) =	ssettm $0x1  }
0x92: {  	s19 =	sld [smem:$0x3FFB];
	_ =	sdelay $0x3  }
0x93: {  	_ =	strace s19  }
0x94: {  	s2 =	sld [smem:$0x3FFC];
	_ =	sdelay $0x3  }
0x95: {  	_ =	strace s2  }
0x96: {  	s2 =	sld [smem:$0x3FFD];
	_ =	sdelay $0x3  }
0x97: {  	_ =	strace s2  }
0x98: {  	_ =	strace $0x8FFFFFFF  }
0x99: {  	s20 =	sld [smem:$0x3FDB];
	_ =	sdelay $0x1  }
0x9a: {  	s5 =	simm.s32 $_scs_section_size  }
0x9b: {  	s6 =	simm.s32 $_size__tile_overlayer_lowered;
	s7 =	simm.s32 $_tile_overlayer_lowered  }
0x9c: {  	s8 =	simm.s32 $0x1BFF;
	s21 =	sshll.u32 s7, $0x1;
	s5 =	sadd.s32 s5, s20  }
0x9d: {  	s22 =	simm.s32 $0x0;
	s6 =	sshll.u32 s6, $0x1;
	s7 =	sadd.s32 s21, s5  }
0x9e: {  	[timem:s22], [sflag:s8] =	dma.local [hbm:s7], s6  }
0x9f: {  	_ =	swait.ge [sflag:s8], s6  }
0xa0: {  	s6 =	ssub.s32 $0x0, s6;
	[sflag:s8] =	ssyncset.done $0x0  }
0xa1: {  	[sflag:s8] =	ssyncadd.s32 s6;
	_ =	sdelay $0x1  }
0xa2: {  	s23 =	simm.s32 $0x1B8B  }
0xa3: {  	_ =	swait.ge [sflag:s23], $0x1  }
0xa4: {  	[sflag:s23] =	ssyncset.done $0x0  }
0xa5: {  	[sflag:s23] =	ssyncadd.s32 $0xFFFFFFFF  }
0xa6: {  	s6 =	sld [smem:$0x0]  }
0xa7: {  	s7 =	sand.u32 $0xFFFFFFFE, s1  }
0xa8: {  	p0 =	sne.s32 s1, s7  }
0xa9: {  	s7 =	sshll.u32 @p0 s7, $0xE  }
0xaa: {  	s7 =	sadd.s32 @p0 $0x11B8D, s7;
	s8 =	sshll.u32 @p0 s6, $0x11  }
0xab: {  	s7 =	sor.u32 @p0 s8, s7  }
0xac: {  	[sflag:s7] =	ssyncadd.remote.s32 @p0 $0x1;
	_ =	sdelay $0x1  }
0xad: {  	s7 =	simm.s32 @p0 $0x1B8D  }
0xae: {  	_ =	swait.eq @p0 [sflag:s7], $0x1  }
0xaf: {  	[sflag:s7] =	ssyncadd.s32 @p0 $0xFFFFFFFF  }
0xb0: {  	s8 =	sshll.u32 @!p0 s1, $0xE  }
0xb1: {  	s8 =	sor.u32 @!p0 $0x4000, s8;
	s7 =	simm.s32 @!p0 $0x1B8D  }
0xb2: {  	s6 =	sshll.u32 @!p0 s6, $0x11;
	s8 =	sadd.s32 @!p0 $0x11B8D, s8;
	_ =	swait.eq @!p0 [sflag:s7], $0x1  }
0xb3: {  	s6 =	sor.u32 @!p0 s6, s8;
	[sflag:s7] =	ssyncadd.s32 @!p0 $0xFFFFFFFF  }
0xb4: {  	s25 =	simm.s32 $0x1B8E;
	s24 =	sld [smem:$0x3FFE];
	[sflag:s6] =	ssyncadd.remote.s32 @!p0 $0x1  }
0xb5: {  	s26 =	simm.s32 $execute0_lowered;
	[smem:$0x3FD2] =	sst s25  }
0xb6: {  	s7 =	sshll.u32 s26, $0x1;
	_ =	strace $0x80000049;
	[dreg:$0x1] =	wrdreg $0xFFFFFFFF  }
0xb7: {  	s28 =	simm.s32 $_size_execute0_lowered;
	s5 =	sadd.s32 s5, s7;
	[dreg:$0x0] =	wrdreg $0x0  }
0xb8: {  	s7 =	sshll.u32 s28, $0x1;
	[dreg:$0x2] =	wrdreg s5  }
0xb9: {  	[dreg:$0x3] =	wrdreg s7  }
0xba: {  	[dreg:$0x4] =	wrdreg $0xC0  }
0xbb: {  	_ =	task [dreg:s22], $0x5FFFF  }
0xbc: {  	[dreg:$0x1] =	wrdreg $0xFFFFFFFF  }
0xbd: {  	[dreg:$0x0] =	wrdreg $0x60  }
0xbe: {  	[dreg:$0x2] =	wrdreg s4  }
0xbf: {  	[dreg:$0x3] =	wrdreg s18  }
0xc0: {  	[dreg:$0x4] =	wrdreg s24  }
0xc1: {  	[dreg:$0x5] =	wrdreg $0xA  }
0xc2: {  	_ =	task.clear_ibuf [dreg:s22], $0x6FFFF;
	_ =	strace $0x90000049  }
0xc3: {  	s29 =	simm.s32 $0xA;
	_ =	strace $0x8000004B  }
0xc4: {  	_ =	swait.ge [sflag:s29], $0x1  }
0xc5: {  	[sflag:s29] =	ssyncadd.s32 $0xFFFFFFFF  }
0xc6: {  	_ =	strace $0x9000004B  }
0xc7: {  	_ =	sfence  }
0xc8: {  	s30 =	sld [smem:$0x0];
	_ =	sdelay $0x2  }
0xc9: {  	s31 =	sshll.u32 s1, $0xD;
	s1 =	sshrl.u32 s1, $0x2  }
0xca: {  	s4 =	sand.u32 $0x4000, s31;
	s1 =	sadd.s32 s1, s30  }
0xcb: {  	s0 =	sor.u32 s4, s0;
	s1 =	sshll.u32 s1, $0x11  }
0xcc: {  	s0 =	sor.u32 s1, s0  }
0xcd: {  	s0 =	sadd.s32 $0x8F2B, s0  }
0xce: {  	[sflag:s0] =	ssyncadd.remote.s32 $0x1  }
0xcf: {  	_ =	sfence.sel $0xFFFF  }
0xd0: {  	[dreg:$0x0] =	wrdreg $0xFFFFFFFF;
	(pc) =	sbr.abs _section_cstart, $3  }
0xd1: {  	[dreg:$0x1] =	wrdreg $0xFFFFFFFF  }
0xd2: {  	_ =	task.clear_ibuf [dreg:s22], $0x2FFFF;
	_ =	strace $0x9FFFFFFF  }
0xd3: {  	(tm) =	ssettm $0x7FFFFFFF  }
tec
execute0_lowered:
.L_overlay_start_1:
0x0: {  	(tag) =	ssettag $0x1  }
0x1: {  	s2 =	rddreg [dreg:$0x0]  }
0x2: {  	s1 =	srdreg.scid;
	s5 =	rddreg [dreg:$0x1]  }
0x3: {  	s0 =	stileid.u32;
	s7 =	rddreg [dreg:$0x2];
	s15 =	simm.s32 $0x880  }
0x4: {  	s16 =	simm.s32 $0x1080;
	s1 =	sand.u32 $0x1, s1;
	s3 =	sshll.u32 s0, $0x1  }
0x5: {  	s17 =	simm.s32 $0x1880;
	s18 =	simm.s32 $0x2080;
	s4 =	sor.u32 s1, s3  }
0x6: {  	s19 =	simm.s32 $0x2880;
	s6 =	sshll.u32 s4, $0x6;
	s4 =	sshll.u32 s4, $0xD  }
0x7: {  	s6 =	sor.u32 s6, s3;
	s3 =	simm.s32 $0x0;
	s4 =	sadd.s32 s4, s7  }
0x8: {  	s20 =	simm.s32 $0x3080;
	[smem:$0x7FF] =	sst s3;
	s14 =	sadd.s32 $0x1200, s4  }
0x9: {  	s4 =	sadd.s32 $0x2200, s4;
	_ =	strace $0x8000004A;
	[dreg:$0x5] =	wrdreg s14  }
0xa: {  	s21 =	simm.s32 $0x3880;
	s23 =	simm.s32 $0x4080;
	[dreg:$0x6] =	wrdreg s4  }
0xb: {  	s24 =	simm.s32 $0x4880;
	s25 =	simm.s32 $0x5080;
	[dreg:$0x7] =	wrdreg s15  }
0xc: {  	s26 =	simm.s32 $0x5880;
	s9 =	simm.s32 $0x6880;
	[dreg:$0x8] =	wrdreg s16  }
0xd: {  	s10 =	simm.s32 $0x7080;
	s11 =	simm.s32 $0x7880;
	[dreg:$0x9] =	wrdreg s17  }
0xe: {  	s12 =	simm.s32 $0x8080;
	s13 =	simm.s32 $0x8880;
	[dreg:$0xa] =	wrdreg s18  }
0xf: {  	s28 =	simm.s32 $0xF880;
	s29 =	simm.s32 $0x1;
	[dreg:$0xb] =	wrdreg s19  }
0x10: {  	s30 =	simm.s32 $0x2;
	s1 =	ssub.s32 $0x2, s1;
	[dreg:$0xc] =	wrdreg s20  }
0x11: {  	s31 =	simm.s32 $0x3;
	s22 =	sshrl.u32 s1, $0x1;
	[dreg:$0xd] =	wrdreg s21  }
0x12: {  	s1 =	ssub.s32 s1, s22;
	s7 =	simm.s32 $0x80;
	[dreg:$0xe] =	wrdreg s23  }
0x13: {  	s22 =	simm.s32 $0xD080;
	s6 =	sand.u32 $0x3D0, s6;
	[dreg:$0xf] =	wrdreg s24  }
0x14: {  	s5 =	sadd.s32 s6, s5;
	s4 =	sadd.s32 $0x100, s2;
	[dreg:$0x10] =	wrdreg s25  }
0x15: {  	s6 =	simm.s32 $0x5;
	[dreg:$0x11] =	wrdreg s26;
	s14 =	simm.s32 $0x9080  }
0x16: {  	s15 =	simm.s32 $0x9880;
	s16 =	simm.s32 $0xA080;
	s17 =	simm.s32 $0xA880  }
0x17: {  	s18 =	simm.s32 $0xB080;
	s19 =	simm.s32 $0xB880;
	s20 =	simm.s32 $0xC080  }
0x18: {  	v2 =	vlaneseq.u32;
	s21 =	simm.s32 $0xC880;
	s23 =	simm.s32 $0xD880;
	s24 =	simm.s32 $0xE080  }
0x19: {  	vm0 =	vmmov $0xffff;
	v1 =	vshrl.u32 v2, $0x3;
	s25 =	simm.s32 $0xE880;
	s26 =	simm.s32 $0xF080;
	s5 =	sadd.s32 $0x20, s5  }
0x1a: {  	v0 =	vand.u32 $0x7, v2;
	v2 =	vor.u32 $0x8, v2;
	v1 =	vmul.u32 $0x8, v1;
	[dreg:$0x4] =	wrdreg s5;
	s5 =	smax.u32 s1, $0x1;
	s1 =	simm.s32 $0x4  }
.LBB2_1:
0x1b: {  	s0 =	rddreg [dreg:$0x4]  }
0x1c: {  	[tilespmem:s3], [sflag:$0x5] =	stream.linear.gather [hbm4b:s0+s3], $0x80, $0x38;
	[tilespmem:$0x10080] =	vst v63  }
0x1d: {  	_ =	swait.ge [sflag:s6], $0x80  }
0x1e: {  	[sflag:s6] =	ssyncset.done $0x0  }
0x1f: {  	[sflag:s6] =	ssyncadd.s32 $0xFFFFFF80  }
0x20: {  	v3 =	vld [tilespmem:$0x0];
	_ =	sdelay $0x4  }
0x21: {  	v4 =	vshll.u32 v3, $0x2  }
0x22: {  	v3 =	vand.u32 $0x7, v3;
	v4 =	vand.u32 $0xFFFFFFE0, v4  }
0x23: {  	v3 =	vor.u32 v3, v4  }
0x24: {  	v4 =	vperm.xlane v3, v0;
	_ =	sdelay $0x1  }
0x25: {  	v4 =	vadd.s32 v1, v4;
	_ =	sdelay $0x1  }
0x26: {  	v3 =	vperm.xlane v3, v2;
	_ =	sdelay $0x1  }
0x27: {  	v3 =	vadd.s32 v1, v3  }
0x28: {  	[tilespmem:s7], [sflag:$0x1] =	stream.indirect_vreg.gather [hbm4b:s2+s3], $0x80, v4, vm0, $0xb8;
	[tilespmem:$0x10080] =	vst v63  }
0x29: {  	s0 =	rddreg [dreg:$0x7]  }
0x2a: {  	[tilespmem:s0], [sflag:$0x1] =	stream.indirect_vreg.gather [hbm4b:s4+s3], $0x80, v4, vm0, $0xb8;
	[tilespmem:$0x10080] =	vst v63  }
0x2b: {  	s8 =	rddreg [dreg:$0x8]  }
0x2c: {  	[tilespmem:s8], [sflag:$0x1] =	stream.indirect_vreg.gather [hbm4b:s2+s3], $0x80, v3, vm0, $0xb8;
	[tilespmem:$0x10080] =	vst v63  }
0x2d: {  	s0 =	rddreg [dreg:$0x9]  }
0x2e: {  	[tilespmem:s0], [sflag:$0x1] =	stream.indirect_vreg.gather [hbm4b:s4+s3], $0x80, v3, vm0, $0xb8;
	[tilespmem:$0x10080] =	vst v63  }
0x2f: {  	v3 =	vld [tilespmem:$0x10];
	_ =	sdelay $0x4  }
0x30: {  	v57 =	vshll.u32 v3, $0x2  }
0x31: {  	v3 =	vand.u32 $0x7, v3;
	v4 =	vand.u32 $0xFFFFFFE0, v57  }
0x32: {  	v3 =	vor.u32 v3, v4  }
0x33: {  	v4 =	vperm.xlane v3, v0;
	_ =	sdelay $0x1  }
0x34: {  	v4 =	vadd.s32 v1, v4;
	_ =	sdelay $0x1  }
0x35: {  	v3 =	vperm.xlane v3, v2;
	_ =	sdelay $0x1  }
0x36: {  	s0 =	rddreg [dreg:$0xa];
	v3 =	vadd.s32 v1, v3  }
0x37: {  	[tilespmem:s0], [sflag:$0x1] =	stream.indirect_vreg.gather [hbm4b:s2+s3], $0x80, v4, vm0, $0xb8;
	[tilespmem:$0x10080] =	vst v63  }
0x38: {  	s8 =	rddreg [dreg:$0xb]  }
0x39: {  	[tilespmem:s8], [sflag:$0x1] =	stream.indirect_vreg.gather [hbm4b:s4+s3], $0x80, v4, vm0, $0xb8;
	[tilespmem:$0x10080] =	vst v63  }
0x3a: {  	s0 =	rddreg [dreg:$0xc]  }
0x3b: {  	[tilespmem:s0], [sflag:$0x1] =	stream.indirect_vreg.gather [hbm4b:s2+s3], $0x80, v3, vm0, $0xb8;
	[tilespmem:$0x10080] =	vst v63  }
0x3c: {  	s8 =	rddreg [dreg:$0xd]  }
0x3d: {  	[tilespmem:s8], [sflag:$0x1] =	stream.indirect_vreg.gather [hbm4b:s4+s3], $0x80, v3, vm0, $0xb8;
	[tilespmem:$0x10080] =	vst v63  }
0x3e: {  	v3 =	vld [tilespmem:$0x20];
	_ =	sdelay $0x4  }
0x3f: {  	v58 =	vshll.u32 v3, $0x2  }
0x40: {  	v3 =	vand.u32 $0x7, v3;
	v4 =	vand.u32 $0xFFFFFFE0, v58  }
0x41: {  	v3 =	vor.u32 v3, v4  }
0x42: {  	v4 =	vperm.xlane v3, v0;
	_ =	sdelay $0x1  }
0x43: {  	v4 =	vadd.s32 v1, v4;
	_ =	sdelay $0x1  }
0x44: {  	v3 =	vperm.xlane v3, v2;
	_ =	sdelay $0x1  }
0x45: {  	s0 =	rddreg [dreg:$0xe];
	v3 =	vadd.s32 v1, v3  }
0x46: {  	[tilespmem:s0], [sflag:$0x1] =	stream.indirect_vreg.gather [hbm4b:s2+s3], $0x80, v4, vm0, $0xb8;
	[tilespmem:$0x10080] =	vst v63  }
0x47: {  	s8 =	rddreg [dreg:$0xf]  }
0x48: {  	[tilespmem:s8], [sflag:$0x1] =	stream.indirect_vreg.gather [hbm4b:s4+s3], $0x80, v4, vm0, $0xb8;
	[tilespmem:$0x10080] =	vst v63  }
0x49: {  	s0 =	rddreg [dreg:$0x10]  }
0x4a: {  	[tilespmem:s0], [sflag:$0x1] =	stream.indirect_vreg.gather [hbm4b:s2+s3], $0x80, v3, vm0, $0xb8;
	[tilespmem:$0x10080] =	vst v63  }
0x4b: {  	s8 =	rddreg [dreg:$0x11]  }
0x4c: {  	[tilespmem:s8], [sflag:$0x1] =	stream.indirect_vreg.gather [hbm4b:s4+s3], $0x80, v3, vm0, $0xb8;
	[tilespmem:$0x10080] =	vst v63  }
0x4d: {  	v3 =	vld [tilespmem:$0x30];
	_ =	sdelay $0x4  }
0x4e: {  	v59 =	vshll.u32 v3, $0x2  }
0x4f: {  	v3 =	vand.u32 $0x7, v3;
	v4 =	vand.u32 $0xFFFFFFE0, v59  }
0x50: {  	v3 =	vor.u32 v3, v4  }
0x51: {  	v4 =	vperm.xlane v3, v0;
	_ =	sdelay $0x1  }
0x52: {  	v4 =	vadd.s32 v1, v4;
	_ =	sdelay $0x1  }
0x53: {  	v3 =	vperm.xlane v3, v2;
	_ =	sdelay $0x1  }
0x54: {  	s8 =	simm.s32 $0x6080;
	v3 =	vadd.s32 v1, v3  }
0x55: {  	[tilespmem:s8], [sflag:$0x1] =	stream.indirect_vreg.gather [hbm4b:s2+s3], $0x80, v4, vm0, $0xb8;
	[tilespmem:$0x10080] =	vst v63  }
0x56: {  	_ = 	snop  }
0x57: {  	[tilespmem:s9], [sflag:$0x1] =	stream.indirect_vreg.gather [hbm4b:s4+s3], $0x80, v4, vm0, $0xb8;
	[tilespmem:$0x10080] =	vst v63  }
0x58: {  	_ = 	snop  }
0x59: {  	[tilespmem:s10], [sflag:$0x1] =	stream.indirect_vreg.gather [hbm4b:s2+s3], $0x80, v3, vm0, $0xb8;
	[tilespmem:$0x10080] =	vst v63  }
0x5a: {  	_ = 	snop  }
0x5b: {  	[tilespmem:s11], [sflag:$0x1] =	stream.indirect_vreg.gather [hbm4b:s4+s3], $0x80, v3, vm0, $0xb8;
	[tilespmem:$0x10080] =	vst v63  }
0x5c: {  	v3 =	vld [tilespmem:$0x40];
	_ =	sdelay $0x4  }
0x5d: {  	v60 =	vshll.u32 v3, $0x2  }
0x5e: {  	v3 =	vand.u32 $0x7, v3;
	v4 =	vand.u32 $0xFFFFFFE0, v60  }
0x5f: {  	v3 =	vor.u32 v3, v4  }
0x60: {  	v4 =	vperm.xlane v3, v0;
	_ =	sdelay $0x1  }
0x61: {  	v4 =	vadd.s32 v1, v4;
	_ =	sdelay $0x1  }
0x62: {  	v3 =	vperm.xlane v3, v2;
	_ =	sdelay $0x1  }
0x63: {  	v3 =	vadd.s32 v1, v3  }
0x64: {  	[tilespmem:s12], [sflag:$0x2] =	stream.indirect_vreg.gather [hbm4b:s2+s3], $0x80, v4, vm0, $0xb8;
	[tilespmem:$0x10080] =	vst v63  }
0x65: {  	_ = 	snop  }
0x66: {  	[tilespmem:s13], [sflag:$0x2] =	stream.indirect_vreg.gather [hbm4b:s4+s3], $0x80, v4, vm0, $0xb8;
	[tilespmem:$0x10080] =	vst v63  }
0x67: {  	_ = 	snop  }
0x68: {  	[tilespmem:s14], [sflag:$0x2] =	stream.indirect_vreg.gather [hbm4b:s2+s3], $0x80, v3, vm0, $0xb8;
	[tilespmem:$0x10080] =	vst v63  }
0x69: {  	_ = 	snop  }
0x6a: {  	[tilespmem:s15], [sflag:$0x2] =	stream.indirect_vreg.gather [hbm4b:s4+s3], $0x80, v3, vm0, $0xb8;
	[tilespmem:$0x10080] =	vst v63  }
0x6b: {  	v3 =	vld [tilespmem:$0x50];
	_ =	sdelay $0x4  }
0x6c: {  	v61 =	vshll.u32 v3, $0x2  }
0x6d: {  	v3 =	vand.u32 $0x7, v3;
	v4 =	vand.u32 $0xFFFFFFE0, v61  }
0x6e: {  	v3 =	vor.u32 v3, v4  }
0x6f: {  	v4 =	vperm.xlane v3, v0;
	_ =	sdelay $0x1  }
0x70: {  	v4 =	vadd.s32 v1, v4;
	_ =	sdelay $0x1  }
0x71: {  	v3 =	vperm.xlane v3, v2;
	_ =	sdelay $0x1  }
0x72: {  	v3 =	vadd.s32 v1, v3  }
0x73: {  	[tilespmem:s16], [sflag:$0x2] =	stream.indirect_vreg.gather [hbm4b:s2+s3], $0x80, v4, vm0, $0xb8;
	[tilespmem:$0x10080] =	vst v63  }
0x74: {  	_ = 	snop  }
0x75: {  	[tilespmem:s17], [sflag:$0x2] =	stream.indirect_vreg.gather [hbm4b:s4+s3], $0x80, v4, vm0, $0xb8;
	[tilespmem:$0x10080] =	vst v63  }
0x76: {  	_ = 	snop  }
0x77: {  	[tilespmem:s18], [sflag:$0x2] =	stream.indirect_vreg.gather [hbm4b:s2+s3], $0x80, v3, vm0, $0xb8;
	[tilespmem:$0x10080] =	vst v63  }
0x78: {  	_ = 	snop  }
0x79: {  	[tilespmem:s19], [sflag:$0x2] =	stream.indirect_vreg.gather [hbm4b:s4+s3], $0x80, v3, vm0, $0xb8;
	[tilespmem:$0x10080] =	vst v63  }
0x7a: {  	v3 =	vld [tilespmem:$0x60];
	_ =	sdelay $0x4  }
0x7b: {  	v62 =	vshll.u32 v3, $0x2  }
0x7c: {  	v3 =	vand.u32 $0x7, v3;
	v4 =	vand.u32 $0xFFFFFFE0, v62  }
0x7d: {  	v3 =	vor.u32 v3, v4  }
0x7e: {  	v4 =	vperm.xlane v3, v0;
	_ =	sdelay $0x1  }
0x7f: {  	v4 =	vadd.s32 v1, v4;
	_ =	sdelay $0x1  }
0x80: {  	v3 =	vperm.xlane v3, v2;
	_ =	sdelay $0x1  }
0x81: {  	v3 =	vadd.s32 v1, v3  }
0x82: {  	[tilespmem:s20], [sflag:$0x2] =	stream.indirect_vreg.gather [hbm4b:s2+s3], $0x80, v4, vm0, $0xb8;
	[tilespmem:$0x10080] =	vst v63  }
0x83: {  	_ = 	snop  }
0x84: {  	[tilespmem:s21], [sflag:$0x2] =	stream.indirect_vreg.gather [hbm4b:s4+s3], $0x80, v4, vm0, $0xb8;
	[tilespmem:$0x10080] =	vst v63  }
0x85: {  	_ = 	snop  }
0x86: {  	[tilespmem:s22], [sflag:$0x2] =	stream.indirect_vreg.gather [hbm4b:s2+s3], $0x80, v3, vm0, $0xb8;
	[tilespmem:$0x10080] =	vst v63  }
0x87: {  	_ = 	snop  }
0x88: {  	[tilespmem:s23], [sflag:$0x2] =	stream.indirect_vreg.gather [hbm4b:s4+s3], $0x80, v3, vm0, $0xb8;
	[tilespmem:$0x10080] =	vst v63  }
0x89: {  	v3 =	vld [tilespmem:$0x70];
	_ =	sdelay $0x4  }
0x8a: {  	v63 =	vshll.u32 v3, $0x2  }
0x8b: {  	v3 =	vand.u32 $0x7, v3;
	v4 =	vand.u32 $0xFFFFFFE0, v63  }
0x8c: {  	v3 =	vor.u32 v3, v4  }
0x8d: {  	v4 =	vperm.xlane v3, v0;
	_ =	sdelay $0x1  }
0x8e: {  	v4 =	vadd.s32 v1, v4;
	_ =	sdelay $0x1  }
0x8f: {  	v3 =	vperm.xlane v3, v2;
	_ =	sdelay $0x1  }
0x90: {  	v3 =	vadd.s32 v1, v3  }
0x91: {  	[tilespmem:s24], [sflag:$0x2] =	stream.indirect_vreg.gather [hbm4b:s2+s3], $0x80, v4, vm0, $0xb8;
	[tilespmem:$0x10080] =	vst v63  }
0x92: {  	_ = 	snop  }
0x93: {  	[tilespmem:s25], [sflag:$0x2] =	stream.indirect_vreg.gather [hbm4b:s4+s3], $0x80, v4, vm0, $0xb8;
	[tilespmem:$0x10080] =	vst v63  }
0x94: {  	_ = 	snop  }
0x95: {  	[tilespmem:s26], [sflag:$0x2] =	stream.indirect_vreg.gather [hbm4b:s2+s3], $0x80, v3, vm0, $0xb8;
	[tilespmem:$0x10080] =	vst v63  }
0x96: {  	_ = 	snop  }
0x97: {  	[tilespmem:s28], [sflag:$0x2] =	stream.indirect_vreg.gather [hbm4b:s4+s3], $0x80, v3, vm0, $0xb8;
	[tilespmem:$0x10080] =	vst v63  }
0x98: {  	_ =	swait.ge [sflag:s29], $0x8000  }
0x99: {  	[sflag:s29] =	ssyncset.done $0x0  }
0x9a: {  	s8 =	rddreg [dreg:$0x5];
	[sflag:s29] =	ssyncadd.s32 $0xFFFF8000  }
0x9b: {  	[hbm4b:s8+s3] =	stream.linear.scatter [tilespmem:s7], [sflag:$0x3], $0x8000, $0x38;
	[tilespmem:$0x10080] =	vst v63  }
0x9c: {  	_ =	swait.ge [sflag:s30], $0x8000  }
0x9d: {  	[sflag:s30] =	ssyncset.done $0x0  }
0x9e: {  	s8 =	rddreg [dreg:$0x6];
	[sflag:s30] =	ssyncadd.s32 $0xFFFF8000  }
0x9f: {  	[hbm4b:s8+s3] =	stream.linear.scatter [tilespmem:s12], [sflag:$0x4], $0x8000, $0x38;
	[tilespmem:$0x10080] =	vst v63  }
0xa0: {  	p0 =	sne.s32 s5, $0x1;
	_ =	swait.ge [sflag:s31], $0x8000  }
.Ltmp0:
0xa1: {  	[sflag:s31] =	ssyncset.done $0x0;
	(pc) =	sbr.rel @p0 .LBB2_1-.Ltmp0, $4  }
0xa2: {  	[sflag:s31] =	ssyncadd.s32 $0xFFFF8000  }
0xa3: {  	_ =	swait.ge [sflag:s1], $0x8000  }
0xa4: {  	[sflag:s1] =	ssyncset.done $0x0  }
0xa5: {  	s5 =	sadd.s32 $0xFFFFFFFF, s5;
	[sflag:s1] =	ssyncadd.s32 $0xFFFF8000  }
0xa6: {  	_ =	sfence.sel $0x180000  }
0xa7: {  	[bflag:$0x0] =	sbarrier.arrive $0xFFFF  }
0xa8: {  	_ =	strace $0x9000004A  }
0xa9: {  	s0 =	stileid.u32;
	[bflag:$0x2] =	sbarrier.arrive $0xFFFF  }
0xaa: {  	p0 =	sne.s32 s0, $0x0;
	s0 =	rddreg [dreg:$0x3]  }
0xab: {  	s0 =	sadd.s32 @!p0 $0x100000, s0  }
0xac: {  	[sflag:s0] =	ssyncadd.tile.s32 @!p0 $0x1;
	_ =	shalt  }
.Lfunc_end2:
_tile_overlayer_lowered:
.L_overlay_start_2:
0xad: {  	(tag) =	ssettag $0x2  }
0xae: {  	s0 =	rddreg [dreg:$0x0];
	s2 =	stileid.u32  }
0xaf: {  	s1 =	rddreg [dreg:$0x1];
	p0 =	sne.s32 s2, $0x0  }
0xb0: {  	s3 =	rddreg [dreg:$0x2];
	[bflag:$0x3] =	sbarrier.arrive $0xFFFF;
	s2 =	simm.s32 @!p0 $0x1C05  }
0xb1: {  	[timem:s3], [sflag:s2] =	dma.local @!p0 [hbm:s0], s1  }
0xb2: {  	s0 =	simm.s32 @!p0 $0x5  }
0xb3: {  	_ =	swait.ge @!p0 [sflag:s0], s1  }
0xb4: {  	s1 =	ssub.s32 @!p0 $0x0, s1;
	[sflag:s0] =	ssyncset.done @!p0 $0x0  }
0xb5: {  	[sflag:s0] =	ssyncadd.s32 @!p0 s1  }
0xb6: {  	[bflag:$0x3] =	sbarrier.arrive $0xFFFF  }
0xb7: {  	_ =	shalt  }

</sc_bundles>
